<compile_context>
chip_gen: v7x
topology: tpu7x:2x2x1
jax: 0.10.2.dev20260603
libtpu: 0.0.44.dev20260713+nightly
codegen_flags: <defaults>
</compile_context>

<pallas_src>
import functools

import jax
import jax.numpy as jnp
from jax import lax
from jax.experimental import pallas as pl
from jax.experimental.pallas import tpu as pltpu
from jax.experimental.pallas import tpu_sc as plsc

F32 = jnp.float32

_NC = 2
_NS = 16
_NW = _NC * _NS

_ROW_BLK = 2000
_C = 80


def _mesh():
    return plsc.VectorSubcoreMesh(core_axis_name="c", subcore_axis_name="s",
                                  num_cores=_NC, num_subcores=_NS)



def _sc_deg(dst3, zeros_n):
    nw, nch, c = dst3.shape
    n = zeros_n.shape[0]

    @functools.partial(
        pl.kernel, mesh=_mesh(),
        out_type=jax.ShapeDtypeStruct((_NC, n), F32),
        scratch_types=[pltpu.VMEM((nch, c), jnp.int32),
                       pltpu.VMEM((c,), F32),
                       pltpu.VMEM_SHARED((n,), F32)],
    )
    def k(dst_hbm, z_hbm, out_hbm, idx_v, ones_v, acc_sh):
        cid = lax.axis_index("c")
        sid = lax.axis_index("s")
        wid = sid * _NC + cid

        @pl.when(sid == 0)
        def _():
            pltpu.sync_copy(z_hbm, acc_sh)

        pltpu.sync_copy(dst_hbm.at[wid], idx_v)
        for j in range(c // 16):
            ones_v[pl.ds(16 * j, 16)] = jnp.ones((16,), F32)
        plsc.subcore_barrier()

        def chunk(i, carry):
            pltpu.sync_copy(ones_v, acc_sh.at[idx_v.at[i]], add=True)
            return carry
        lax.fori_loop(0, nch, chunk, 0)

        plsc.subcore_barrier()

        @pl.when(sid == 0)
        def _():
            pltpu.sync_copy(acc_sh, out_hbm.at[cid])

    return k(dst3, zeros_n)



def _sc_agg(y, src3, dst3, zeros_nd):
    nw, nch, c = src3.shape
    n, d = y.shape

    @functools.partial(
        pl.kernel, mesh=_mesh(),
        out_type=jax.ShapeDtypeStruct((_NC, n, d), F32),
        scratch_types=[pltpu.VMEM((nch, c), jnp.int32),
                       pltpu.VMEM((nch, c), jnp.int32),
                       pltpu.VMEM((c, d), F32),
                       pltpu.VMEM_SHARED((n, d), F32)],
    )
    def k(y_hbm, src_hbm, dst_hbm, z_hbm, out_hbm, si_v, di_v, rows_v, acc_sh):
        cid = lax.axis_index("c")
        sid = lax.axis_index("s")
        wid = sid * _NC + cid

        @pl.when(sid == 0)
        def _():
            pltpu.sync_copy(z_hbm, acc_sh)

        pltpu.sync_copy(src_hbm.at[wid], si_v)
        pltpu.sync_copy(dst_hbm.at[wid], di_v)
        plsc.subcore_barrier()

        def chunk(i, carry):
            pltpu.sync_copy(y_hbm.at[si_v.at[i]], rows_v)
            pltpu.sync_copy(rows_v, acc_sh.at[di_v.at[i]], add=True)
            return carry
        lax.fori_loop(0, nch, chunk, 0)

        plsc.subcore_barrier()

        @pl.when(sid == 0)
        def _():
            pltpu.sync_copy(acc_sh, out_hbm.at[cid])

    return k(y, src3, dst3, zeros_nd)



def _fc1_body(inp_ref, w1_ref, b1_ref, pp_ref, x_ref, s_ref):
    x = jnp.maximum(
        jnp.dot(inp_ref[...], w1_ref[...], preferred_element_type=F32) + b1_ref[...], 0.0)
    x_ref[...] = x
    pp = pp_ref[...]
    nrm = jnp.sqrt(jnp.sum(pp * pp)) + 1e-16
    s_ref[...] = jnp.tanh(
        jnp.dot(x, pp, preferred_element_type=F32) / nrm)


def _fc1(inputs, W1, b1r, ppc):
    n, d = inputs.shape
    return pl.pallas_call(
        _fc1_body,
        grid=(n // _ROW_BLK,),
        in_specs=[pl.BlockSpec((_ROW_BLK, d), lambda i: (i, 0)),
                  pl.BlockSpec((d, d), lambda i: (0, 0)),
                  pl.BlockSpec((1, d), lambda i: (0, 0)),
                  pl.BlockSpec((d, 1), lambda i: (0, 0))],
        out_specs=[pl.BlockSpec((_ROW_BLK, d), lambda i: (i, 0)),
                   pl.BlockSpec((_ROW_BLK, 1), lambda i: (i, 0))],
        out_shape=[jax.ShapeDtypeStruct((n, d), F32),
                   jax.ShapeDtypeStruct((n, 1), F32)],
    )(inputs, W1, b1r, ppc)



def _gru_body(perm_ref, vals_ref, x_ref, h0_ref, wih_ref, whh_ref,
              bih_ref, bhh_ref, w_ref, xt_ref):
    kk, d = xt_ref.shape

    def loop(i, carry):
        row = x_ref[pl.ds(perm_ref[i], 1), :]
        xt_ref[pl.ds(i, 1), :] = row * vals_ref[i]
        return carry
    lax.fori_loop(0, kk, loop, 0)

    xt = xt_ref[...]
    gi = jnp.dot(xt, wih_ref[...], preferred_element_type=F32) + bih_ref[...]
    gh = jnp.dot(h0_ref[...], whh_ref[...], preferred_element_type=F32) + bhh_ref[...]
    r = jax.nn.sigmoid(gi[:, :d] + gh[:, :d])
    z = jax.nn.sigmoid(gi[:, d:2 * d] + gh[:, d:2 * d])
    nn = jnp.tanh(gi[:, 2 * d:] + r * gh[:, 2 * d:])
    w_ref[...] = (1.0 - z) * nn + z * h0_ref[...]


def _gru(x, perm, vals, h0, wihT, whhT, bihr, bhhr):
    n, d = x.shape
    kk = h0.shape[0]
    grid_spec = pltpu.PrefetchScalarGridSpec(
        num_scalar_prefetch=2,
        grid=(1,),
        in_specs=[pl.BlockSpec((n, d), lambda i, p, v: (0, 0)),
                  pl.BlockSpec((kk, d), lambda i, p, v: (0, 0)),
                  pl.BlockSpec((d, 3 * d), lambda i, p, v: (0, 0)),
                  pl.BlockSpec((d, 3 * d), lambda i, p, v: (0, 0)),
                  pl.BlockSpec((1, 3 * d), lambda i, p, v: (0, 0)),
                  pl.BlockSpec((1, 3 * d), lambda i, p, v: (0, 0))],
        out_specs=pl.BlockSpec((kk, d), lambda i, p, v: (0, 0)),
        scratch_shapes=[pltpu.VMEM((kk, d), F32)],
    )
    return pl.pallas_call(
        _gru_body,
        grid_spec=grid_spec,
        out_shape=jax.ShapeDtypeStruct((kk, d), F32),
    )(perm, vals, x, h0, wihT, whhT, bihr, bhhr)



def _xw_body(x_ref, w_ref, d0_ref, d1_ref, y_ref, dinv_ref):
    dinv = lax.rsqrt(d0_ref[...] + d1_ref[...] + 1.0)
    y_ref[...] = jnp.dot(x_ref[...], w_ref[...], preferred_element_type=F32,
                         ) * dinv
    dinv_ref[...] = dinv


def _xw(x, W, d0, d1):
    n, d = x.shape
    return pl.pallas_call(
        _xw_body,
        grid=(n // _ROW_BLK,),
        in_specs=[pl.BlockSpec((_ROW_BLK, d), lambda i: (i, 0)),
                  pl.BlockSpec((d, d), lambda i: (0, 0)),
                  pl.BlockSpec((_ROW_BLK, 1), lambda i: (i, 0)),
                  pl.BlockSpec((_ROW_BLK, 1), lambda i: (i, 0))],
        out_specs=[pl.BlockSpec((_ROW_BLK, d), lambda i: (i, 0)),
                   pl.BlockSpec((_ROW_BLK, 1), lambda i: (i, 0))],
        out_shape=[jax.ShapeDtypeStruct((n, d), F32),
                   jax.ShapeDtypeStruct((n, 1), F32)],
    )(x, W, d0, d1)



def _fc2_body(x_ref, y_ref, a0_ref, a1_ref, dinv_ref, w2a_ref, w2b_ref,
              b2_ref, q_ref):
    agg = (a0_ref[...] + a1_ref[...] + y_ref[...]) * dinv_ref[...]
    q_ref[...] = (jnp.dot(x_ref[...], w2a_ref[...], preferred_element_type=F32,
                          )
                  + jnp.dot(agg, w2b_ref[...], preferred_element_type=F32,
                            )
                  + b2_ref[...])


def _fc2(x, y, a0, a1, dinv, W2a, W2b, b2r):
    n, d = x.shape
    a = W2a.shape[1]
    return pl.pallas_call(
        _fc2_body,
        grid=(n // _ROW_BLK,),
        in_specs=[pl.BlockSpec((_ROW_BLK, d), lambda i: (i, 0)),
                  pl.BlockSpec((_ROW_BLK, d), lambda i: (i, 0)),
                  pl.BlockSpec((_ROW_BLK, d), lambda i: (i, 0)),
                  pl.BlockSpec((_ROW_BLK, d), lambda i: (i, 0)),
                  pl.BlockSpec((_ROW_BLK, 1), lambda i: (i, 0)),
                  pl.BlockSpec((d, a), lambda i: (0, 0)),
                  pl.BlockSpec((d, a), lambda i: (0, 0)),
                  pl.BlockSpec((1, a), lambda i: (0, 0))],
        out_specs=pl.BlockSpec((_ROW_BLK, a), lambda i: (i, 0)),
        out_shape=jax.ShapeDtypeStruct((n, a), F32),
    )(x, y, a0, a1, dinv, W2a, W2b, b2r)



def kernel(inputs, edge_index, W1, b1, p_pool, W_ih, W_hh, b_ih, b_hh,
           init_w, W2, b2):
    n, d = inputs.shape
    e = edge_index.shape[1]
    a = W2.shape[1]

    src3 = edge_index[0].reshape(_NW, -1, _C)
    dst3 = edge_index[1].reshape(_NW, -1, _C)

    deg2 = _sc_deg(dst3, jnp.zeros((n,), F32))

    x, score = _fc1(inputs, W1, b1.reshape(1, d), p_pool.reshape(d, 1))
    vals, perm = lax.top_k(score.reshape(n), d)
    W = _gru(x, perm, vals, init_w[0], W_ih.T, W_hh.T,
             b_ih.reshape(1, 3 * d), b_hh.reshape(1, 3 * d))

    y, dinv = _xw(x, W, deg2[0].reshape(n, 1), deg2[1].reshape(n, 1))

    acc = _sc_agg(y, src3, dst3, jnp.zeros((n, d), F32))

    q = _fc2(x, y, acc[0], acc[1], dinv, W2[:d], W2[d:],
             b2.reshape(1, a))
    return q

# --- scband reference (transcript-rebuilt; emitter-appended) ---
"""Pipeline reference for scband-egcn-hagent-74431783240162 (READ-ONLY COPY).

The authoritative reference and input builder live on the scoring server;
editing this copy changes nothing except your own understanding.
"""

import jax, jax.numpy as jnp
import numpy as np

N = 10000   # n_agents * batch_size (num graph nodes)
E = 320000  # edges
D = 128     # hidden_dim / in_channels
A = 16      # n_actions
K = 128     # TopKPooling k = ceil(ratio*N) = ceil((D/N)*N) = D


def setup_inputs(seed: int = 0) -> dict:
    key = jax.random.key(seed)
    ks = jax.random.split(key, 12)
    s = 1.0 / np.sqrt(D)
    inputs = jax.random.normal(ks[0], (N, D), dtype=jnp.float32)
    edge_index = jax.random.randint(ks[1], (2, E), 0, N, dtype=jnp.int32)
    W1 = jax.random.normal(ks[2], (D, D), dtype=jnp.float32) * s
    b1 = jnp.zeros((D,), dtype=jnp.float32)
    p_pool = jax.random.normal(ks[3], (D,), dtype=jnp.float32) * s
    W_ih = jax.random.normal(ks[4], (3 * D, D), dtype=jnp.float32) * s
    W_hh = jax.random.normal(ks[5], (3 * D, D), dtype=jnp.float32) * s
    b_ih = jnp.zeros((3 * D,), dtype=jnp.float32)
    b_hh = jnp.zeros((3 * D,), dtype=jnp.float32)
    init_w = jax.random.normal(ks[6], (1, D, D), dtype=jnp.float32) * s  # EvolveGCNH initial_weight (glorot-like)
    W2 = jax.random.normal(ks[7], (2 * D, A), dtype=jnp.float32) * (1.0 / np.sqrt(2 * D))
    b2 = jnp.zeros((A,), dtype=jnp.float32)
    return {"inputs": inputs, "edge_index": edge_index, "W1": W1, "b1": b1,
            "p_pool": p_pool, "W_ih": W_ih, "W_hh": W_hh, "b_ih": b_ih,
            "b_hh": b_hh, "init_w": init_w, "W2": W2, "b2": b2}


def _gru_step(x, h, W_ih, W_hh, b_ih, b_hh):
    # Single-timestep PyTorch-convention GRU cell
    gi = x @ W_ih.T + b_ih
    gh = h @ W_hh.T + b_hh
    i_r, i_z, i_n = jnp.split(gi, 3, axis=-1)
    h_r, h_z, h_n = jnp.split(gh, 3, axis=-1)
    r = jax.nn.sigmoid(i_r + h_r)
    z = jax.nn.sigmoid(i_z + h_z)
    n = jnp.tanh(i_n + r * h_n)
    return (1.0 - z) * n + z * h


def reference(inputs, edge_index, W1, b1, p_pool, W_ih, W_hh, b_ih, b_hh, init_w, W2, b2):
    # fc1 + relu
    x = jax.nn.relu(inputs @ W1 + b1)

    # --- EvolveGCNH ---
    # TopKPooling (node scoring, tanh nonlinearity, select K nodes)
    score = jnp.tanh((x @ p_pool) / (jnp.linalg.norm(p_pool) + 1e-16))
    vals, perm = jax.lax.top_k(score, K)
    x_tilde = x[perm] * vals[:, None]          # [K, D]

    # GRU: X_tilde as seq_len=1, batch=K; hidden evolves the GCN weight
    h0 = init_w[0]                              # [K, D] since K == D
    W = _gru_step(x_tilde, h0, W_ih, W_hh, b_ih, b_hh)   # [D, D]

    # GCNConv_Fixed_W: x @ W then symmetric-normalized aggregation with self-loops
    xw = x @ W
    sl = jnp.arange(N, dtype=edge_index.dtype)
    src = jnp.concatenate([edge_index[0], sl])
    dst = jnp.concatenate([edge_index[1], sl])
    ew = jnp.ones(src.shape[0], dtype=xw.dtype)
    deg = jax.ops.segment_sum(ew, dst, num_segments=N)
    dinv = jnp.where(deg > 0, deg ** -0.5, 0.0)
    norm = dinv[src] * ew * dinv[dst]
    agg = jax.ops.segment_sum(xw[src] * norm[:, None], dst, num_segments=N)  # [N, D]

    # fc2 over concat(fc1 features, gcn features)
    q = jnp.concatenate([x, agg], axis=-1) @ W2 + b2
    return q

if __name__ == "__main__":
    import jax
    _d = setup_inputs()
    print(jax.jit(kernel)(*tuple(_d.values())))

</pallas_src>

<mosaic_0001>
#map = affine_map<(d0, d1) -> (0, 0, 0)>
#map1 = affine_map<(d0, d1) -> (0)>
#map2 = affine_map<(d0, d1) -> (0, 0)>
module attributes {stable_mosaic.version = 14 : i64} {
  func.func @k(%arg0: i32, %arg1: i32, %arg2: memref<32x125x80xi32, #tpu.memory_space<hbm>>, %arg3: memref<10000xf32, #tpu.memory_space<hbm>>, %arg4: memref<2x10000xf32, #tpu.memory_space<hbm>>, %arg5: memref<125x80xi32, #tpu.memory_space<vmem>>, %arg6: memref<80xf32, #tpu.memory_space<vmem>>, %arg7: memref<10000xf32, #tpu.memory_space<vmem_shared>>) attributes {dimension_semantics = [#tpu.dimension_semantics<core_parallel>, #tpu.dimension_semantics<subcore_parallel>], iteration_bounds = array<i64: 2, 16>, scalar_prefetch = 0 : i64, scratch_operands = 3 : i64, tpu.core_type = #tpu.core_type<sc_vector_subcore>, window_params = [{transform_indices = #map}, {transform_indices = #map1}, {transform_indices = #map2}]} {
    %mul3A = arith.constant 2 : i32
    %mul3A_0 = arith.muli %arg1, %mul3A : i32
    %add3A = arith.addi %mul3A_0, %arg0 : i32
    %eq3A = arith.constant 0 : i32
    %eq3A_1 = arith.cmpi eq, %arg1, %eq3A : i32
    %convert_element_type3A = arith.extui %eq3A_1 : i1 to i32
    %cond3A = arith.constant 0 : i32
    %cond3A_2 = arith.cmpi ne, %convert_element_type3A, %cond3A : i32
    scf.if %cond3A_2 {
      "tpu.region"() ({
        %run_scoped3A = tpu.sem_alloc : memref<!tpu.dma_semaphore, #tpu.memory_space<semaphore_mem>>
        tpu.enqueue_dma source(%arg3 : memref<10000xf32, #tpu.memory_space<hbm>>) target(%arg7 : memref<10000xf32, #tpu.memory_space<vmem_shared>>) target_semaphore(%run_scoped3A : memref<!tpu.dma_semaphore, #tpu.memory_space<semaphore_mem>>)
        tpu.wait_dma2 semaphore(%run_scoped3A : memref<!tpu.dma_semaphore, #tpu.memory_space<semaphore_mem>>) src(%arg3 : memref<10000xf32, #tpu.memory_space<hbm>>) dst(%arg7 : memref<10000xf32, #tpu.memory_space<vmem_shared>>)
        tpu.yield
      }) : () -> ()
    } else {
    }
    "tpu.region"() ({
      %run_scoped3A = tpu.sem_alloc : memref<!tpu.dma_semaphore, #tpu.memory_space<semaphore_mem>>
      %dma_start3A = arith.constant 0 : i32
      %dma_start3A_42 = arith.constant 0 : i32
      %dma_start3A_43 = tpu.memref_slice %arg2[%add3A, %dma_start3A, %dma_start3A_42] : memref<32x125x80xi32, #tpu.memory_space<hbm>> -> memref<1x125x80xi32, #tpu.memory_space<hbm>>
      %dma_start3A_44 = tpu.memref_squeeze %dma_start3A_43 : memref<1x125x80xi32, #tpu.memory_space<hbm>> -> memref<125x80xi32, #tpu.memory_space<hbm>>
      %dma_start3A_45 = arith.constant 0 : i32
      %dma_start3A_46 = arith.constant 0 : i32
      %dma_start3A_47 = tpu.memref_slice %arg2[%add3A, %dma_start3A_45, %dma_start3A_46] : memref<32x125x80xi32, #tpu.memory_space<hbm>> -> memref<1x125x80xi32, #tpu.memory_space<hbm>>
      %dma_start3A_48 = tpu.memref_squeeze %dma_start3A_47 : memref<1x125x80xi32, #tpu.memory_space<hbm>> -> memref<125x80xi32, #tpu.memory_space<hbm>>
      tpu.enqueue_dma source(%dma_start3A_48 : memref<125x80xi32, #tpu.memory_space<hbm>>) target(%arg5 : memref<125x80xi32, #tpu.memory_space<vmem>>) target_semaphore(%run_scoped3A : memref<!tpu.dma_semaphore, #tpu.memory_space<semaphore_mem>>)
      %dma_wait3A = arith.constant 0 : i32
      %dma_wait3A_49 = arith.constant 0 : i32
      %dma_wait3A_50 = tpu.memref_slice %arg2[%add3A, %dma_wait3A, %dma_wait3A_49] : memref<32x125x80xi32, #tpu.memory_space<hbm>> -> memref<1x125x80xi32, #tpu.memory_space<hbm>>
      %dma_wait3A_51 = tpu.memref_squeeze %dma_wait3A_50 : memref<1x125x80xi32, #tpu.memory_space<hbm>> -> memref<125x80xi32, #tpu.memory_space<hbm>>
      %dma_wait3A_52 = arith.constant 0 : i32
      %dma_wait3A_53 = arith.constant 0 : i32
      %dma_wait3A_54 = tpu.memref_slice %arg2[%add3A, %dma_wait3A_52, %dma_wait3A_53] : memref<32x125x80xi32, #tpu.memory_space<hbm>> -> memref<1x125x80xi32, #tpu.memory_space<hbm>>
      %dma_wait3A_55 = tpu.memref_squeeze %dma_wait3A_54 : memref<1x125x80xi32, #tpu.memory_space<hbm>> -> memref<125x80xi32, #tpu.memory_space<hbm>>
      tpu.wait_dma2 semaphore(%run_scoped3A : memref<!tpu.dma_semaphore, #tpu.memory_space<semaphore_mem>>) src(%dma_wait3A_55 : memref<125x80xi32, #tpu.memory_space<hbm>>) dst(%arg5 : memref<125x80xi32, #tpu.memory_space<vmem>>)
      tpu.yield
    }) : () -> ()
    %broadcast_in_dim3A = arith.constant 1.000000e+00 : f32
    %broadcast_in_dim3A_3 = vector.broadcast %broadcast_in_dim3A : f32 to vector<16xf32>
    %swap3A = arith.constant 0 : index
    %swap3A_4 = tpu.vector_load %arg6[%swap3A] {strides = array<i32>} : memref<80xf32, #tpu.memory_space<vmem>>, vector<16xf32>,
    %swap3A_5 = vector.shape_cast %swap3A_4 : vector<16xf32> to vector<16xf32>
    %swap3A_6 = vector.shape_cast %broadcast_in_dim3A_3 : vector<16xf32> to vector<16xf32>
    tpu.vector_store %arg6[%swap3A], %swap3A_6 {strides = array<i32>} : memref<80xf32, #tpu.memory_space<vmem>>, vector<16xf32>,
    %broadcast_in_dim3A_7 = arith.constant 1.000000e+00 : f32
    %broadcast_in_dim3A_8 = vector.broadcast %broadcast_in_dim3A_7 : f32 to vector<16xf32>
    %swap3A_9 = arith.constant 16 : index
    %swap3A_10 = tpu.vector_load %arg6[%swap3A_9] {strides = array<i32>} : memref<80xf32, #tpu.memory_space<vmem>>, vector<16xf32>,
    %swap3A_11 = vector.shape_cast %swap3A_10 : vector<16xf32> to vector<16xf32>
    %swap3A_12 = vector.shape_cast %broadcast_in_dim3A_8 : vector<16xf32> to vector<16xf32>
    tpu.vector_store %arg6[%swap3A_9], %swap3A_12 {strides = array<i32>} : memref<80xf32, #tpu.memory_space<vmem>>, vector<16xf32>,
    %broadcast_in_dim3A_13 = arith.constant 1.000000e+00 : f32
    %broadcast_in_dim3A_14 = vector.broadcast %broadcast_in_dim3A_13 : f32 to vector<16xf32>
    %swap3A_15 = arith.constant 32 : index
    %swap3A_16 = tpu.vector_load %arg6[%swap3A_15] {strides = array<i32>} : memref<80xf32, #tpu.memory_space<vmem>>, vector<16xf32>,
    %swap3A_17 = vector.shape_cast %swap3A_16 : vector<16xf32> to vector<16xf32>
    %swap3A_18 = vector.shape_cast %broadcast_in_dim3A_14 : vector<16xf32> to vector<16xf32>
    tpu.vector_store %arg6[%swap3A_15], %swap3A_18 {strides = array<i32>} : memref<80xf32, #tpu.memory_space<vmem>>, vector<16xf32>,
    %broadcast_in_dim3A_19 = arith.constant 1.000000e+00 : f32
    %broadcast_in_dim3A_20 = vector.broadcast %broadcast_in_dim3A_19 : f32 to vector<16xf32>
    %swap3A_21 = arith.constant 48 : index
    %swap3A_22 = tpu.vector_load %arg6[%swap3A_21] {strides = array<i32>} : memref<80xf32, #tpu.memory_space<vmem>>, vector<16xf32>,
    %swap3A_23 = vector.shape_cast %swap3A_22 : vector<16xf32> to vector<16xf32>
    %swap3A_24 = vector.shape_cast %broadcast_in_dim3A_20 : vector<16xf32> to vector<16xf32>
    tpu.vector_store %arg6[%swap3A_21], %swap3A_24 {strides = array<i32>} : memref<80xf32, #tpu.memory_space<vmem>>, vector<16xf32>,
    %broadcast_in_dim3A_25 = arith.constant 1.000000e+00 : f32
    %broadcast_in_dim3A_26 = vector.broadcast %broadcast_in_dim3A_25 : f32 to vector<16xf32>
    %swap3A_27 = arith.constant 64 : index
    %swap3A_28 = tpu.vector_load %arg6[%swap3A_27] {strides = array<i32>} : memref<80xf32, #tpu.memory_space<vmem>>, vector<16xf32>,
    %swap3A_29 = vector.shape_cast %swap3A_28 : vector<16xf32> to vector<16xf32>
    %swap3A_30 = vector.shape_cast %broadcast_in_dim3A_26 : vector<16xf32> to vector<16xf32>
    tpu.vector_store %arg6[%swap3A_27], %swap3A_30 {strides = array<i32>} : memref<80xf32, #tpu.memory_space<vmem>>, vector<16xf32>,
    %barrier3A = arith.constant 0 : index
    tpu.barrier barrier_id(%barrier3A)
    %scan3A = arith.constant 0 : i32
    %scan3A_31 = arith.constant 0 : i32
    %scan3A_32 = arith.constant 125 : i32
    %scan3A_33 = arith.addi %scan3A_31, %scan3A_32 : i32
    %scan3A_34 = arith.constant 1 : i32
    scf.for %scan3A_42 = %scan3A_31 to %scan3A_33 step %scan3A_34  : i32 {
      "tpu.region"() ({
        %run_scoped3A = tpu.sem_alloc : memref<!tpu.dma_semaphore, #tpu.memory_space<semaphore_mem>>
        %dma_start3A = arith.constant 0 : i32
        %dma_start3A_43 = tpu.memref_slice %arg5[%scan3A_42, %dma_start3A] : memref<125x80xi32, #tpu.memory_space<vmem>> -> memref<1x80xi32, #tpu.memory_space<vmem>>
        %dma_start3A_44 = tpu.memref_squeeze %dma_start3A_43 : memref<1x80xi32, #tpu.memory_space<vmem>> -> memref<80xi32, #tpu.memory_space<vmem>>
        %dma_start3A_45 = arith.constant 0 : i32
        %dma_start3A_46 = tpu.memref_slice %arg7[%dma_start3A_45] : memref<10000xf32, #tpu.memory_space<vmem_shared>> -> memref<10000xf32, #tpu.memory_space<vmem_shared>>
        tpu.enqueue_indirect_dma source(%arg6 : memref<80xf32, #tpu.memory_space<vmem>>) target(%dma_start3A_46 : memref<10000xf32, #tpu.memory_space<vmem_shared>>) offsets(%dma_start3A_44 : memref<80xi32, #tpu.memory_space<vmem>>) semaphore(%run_scoped3A : memref<!tpu.dma_semaphore, #tpu.memory_space<semaphore_mem>>) {add = true}
        %dma_wait3A = arith.constant 0 : i32
        %dma_wait3A_47 = tpu.memref_slice %arg5[%scan3A_42, %dma_wait3A] : memref<125x80xi32, #tpu.memory_space<vmem>> -> memref<1x80xi32, #tpu.memory_space<vmem>>
        %dma_wait3A_48 = tpu.memref_squeeze %dma_wait3A_47 : memref<1x80xi32, #tpu.memory_space<vmem>> -> memref<80xi32, #tpu.memory_space<vmem>>
        %dma_wait3A_49 = arith.constant 0 : i32
        %dma_wait3A_50 = tpu.memref_slice %arg7[%dma_wait3A_49] : memref<10000xf32, #tpu.memory_space<vmem_shared>> -> memref<10000xf32, #tpu.memory_space<vmem_shared>>
        tpu.wait_indirect_dma semaphore(%run_scoped3A : memref<!tpu.dma_semaphore, #tpu.memory_space<semaphore_mem>>) src(%arg6 : memref<80xf32, #tpu.memory_space<vmem>>) dst(%dma_wait3A_50 : memref<10000xf32, #tpu.memory_space<vmem_shared>>)
        tpu.yield
      }) : () -> ()
    }
    %scan3A_35 = arith.constant 125 : i32
    %barrier3A_36 = arith.constant 0 : index
    tpu.barrier barrier_id(%barrier3A_36)
    %eq3A_37 = arith.constant 0 : i32
    %eq3A_38 = arith.cmpi eq, %arg1, %eq3A_37 : i32
    %convert_element_type3A_39 = arith.extui %eq3A_38 : i1 to i32
    %cond3A_40 = arith.constant 0 : i32
    %cond3A_41 = arith.cmpi ne, %convert_element_type3A_39, %cond3A_40 : i32
    scf.if %cond3A_41 {
      "tpu.region"() ({
        %run_scoped3A = tpu.sem_alloc : memref<!tpu.dma_semaphore, #tpu.memory_space<semaphore_mem>>
        %dma_start3A = arith.constant 0 : i32
        %dma_start3A_42 = tpu.memref_slice %arg4[%arg0, %dma_start3A] : memref<2x10000xf32, #tpu.memory_space<hbm>> -> memref<1x10000xf32, #tpu.memory_space<hbm>>
        %dma_start3A_43 = tpu.memref_squeeze %dma_start3A_42 : memref<1x10000xf32, #tpu.memory_space<hbm>> -> memref<10000xf32, #tpu.memory_space<hbm>>
        tpu.enqueue_dma source(%arg7 : memref<10000xf32, #tpu.memory_space<vmem_shared>>) target(%dma_start3A_43 : memref<10000xf32, #tpu.memory_space<hbm>>) target_semaphore(%run_scoped3A : memref<!tpu.dma_semaphore, #tpu.memory_space<semaphore_mem>>)
        %dma_wait3A = arith.constant 0 : i32
        %dma_wait3A_44 = tpu.memref_slice %arg4[%arg0, %dma_wait3A] : memref<2x10000xf32, #tpu.memory_space<hbm>> -> memref<1x10000xf32, #tpu.memory_space<hbm>>
        %dma_wait3A_45 = tpu.memref_squeeze %dma_wait3A_44 : memref<1x10000xf32, #tpu.memory_space<hbm>> -> memref<10000xf32, #tpu.memory_space<hbm>>
        tpu.wait_dma2 semaphore(%run_scoped3A : memref<!tpu.dma_semaphore, #tpu.memory_space<semaphore_mem>>) src(%arg7 : memref<10000xf32, #tpu.memory_space<vmem_shared>>) dst(%dma_wait3A_45 : memref<10000xf32, #tpu.memory_space<hbm>>)
        tpu.yield
      }) : () -> ()
    } else {
    }
    return
  }
}

#map = affine_map<(d0, d1) -> (0, 0)>
#map1 = affine_map<(d0, d1) -> (0, 0, 0)>
module attributes {stable_mosaic.version = 14 : i64} {
  func.func @k(%arg0: i32, %arg1: i32, %arg2: memref<10000x128xf32, #tpu.memory_space<hbm>>, %arg3: memref<32x125x80xi32, #tpu.memory_space<hbm>>, %arg4: memref<32x125x80xi32, #tpu.memory_space<hbm>>, %arg5: memref<10000x128xf32, #tpu.memory_space<hbm>>, %arg6: memref<2x10000x128xf32, #tpu.memory_space<hbm>>, %arg7: memref<125x80xi32, #tpu.memory_space<vmem>>, %arg8: memref<125x80xi32, #tpu.memory_space<vmem>>, %arg9: memref<80x128xf32, #tpu.memory_space<vmem>>, %arg10: memref<10000x128xf32, #tpu.memory_space<vmem_shared>>) attributes {dimension_semantics = [#tpu.dimension_semantics<core_parallel>, #tpu.dimension_semantics<subcore_parallel>], iteration_bounds = array<i64: 2, 16>, scalar_prefetch = 0 : i64, scratch_operands = 4 : i64, tpu.core_type = #tpu.core_type<sc_vector_subcore>, window_params = [{transform_indices = #map}, {transform_indices = #map1}, {transform_indices = #map1}, {transform_indices = #map}, {transform_indices = #map1}]} {
    %mul3A = arith.constant 2 : i32
    %mul3A_0 = arith.muli %arg1, %mul3A : i32
    %add3A = arith.addi %mul3A_0, %arg0 : i32
    %eq3A = arith.constant 0 : i32
    %eq3A_1 = arith.cmpi eq, %arg1, %eq3A : i32
    %convert_element_type3A = arith.extui %eq3A_1 : i1 to i32
    %cond3A = arith.constant 0 : i32
    %cond3A_2 = arith.cmpi ne, %convert_element_type3A, %cond3A : i32
    scf.if %cond3A_2 {
      "tpu.region"() ({
        %run_scoped3A = tpu.sem_alloc : memref<!tpu.dma_semaphore, #tpu.memory_space<semaphore_mem>>
        tpu.enqueue_dma source(%arg5 : memref<10000x128xf32, #tpu.memory_space<hbm>>) target(%arg10 : memref<10000x128xf32, #tpu.memory_space<vmem_shared>>) target_semaphore(%run_scoped3A : memref<!tpu.dma_semaphore, #tpu.memory_space<semaphore_mem>>)
        tpu.wait_dma2 semaphore(%run_scoped3A : memref<!tpu.dma_semaphore, #tpu.memory_space<semaphore_mem>>) src(%arg5 : memref<10000x128xf32, #tpu.memory_space<hbm>>) dst(%arg10 : memref<10000x128xf32, #tpu.memory_space<vmem_shared>>)
        tpu.yield
      }) : () -> ()
    } else {
    }
    "tpu.region"() ({
      %run_scoped3A = tpu.sem_alloc : memref<!tpu.dma_semaphore, #tpu.memory_space<semaphore_mem>>
      %dma_start3A = arith.constant 0 : i32
      %dma_start3A_14 = arith.constant 0 : i32
      %dma_start3A_15 = tpu.memref_slice %arg3[%add3A, %dma_start3A, %dma_start3A_14] : memref<32x125x80xi32, #tpu.memory_space<hbm>> -> memref<1x125x80xi32, #tpu.memory_space<hbm>>
      %dma_start3A_16 = tpu.memref_squeeze %dma_start3A_15 : memref<1x125x80xi32, #tpu.memory_space<hbm>> -> memref<125x80xi32, #tpu.memory_space<hbm>>
      %dma_start3A_17 = arith.constant 0 : i32
      %dma_start3A_18 = arith.constant 0 : i32
      %dma_start3A_19 = tpu.memref_slice %arg3[%add3A, %dma_start3A_17, %dma_start3A_18] : memref<32x125x80xi32, #tpu.memory_space<hbm>> -> memref<1x125x80xi32, #tpu.memory_space<hbm>>
      %dma_start3A_20 = tpu.memref_squeeze %dma_start3A_19 : memref<1x125x80xi32, #tpu.memory_space<hbm>> -> memref<125x80xi32, #tpu.memory_space<hbm>>
      tpu.enqueue_dma source(%dma_start3A_20 : memref<125x80xi32, #tpu.memory_space<hbm>>) target(%arg7 : memref<125x80xi32, #tpu.memory_space<vmem>>) target_semaphore(%run_scoped3A : memref<!tpu.dma_semaphore, #tpu.memory_space<semaphore_mem>>)
      %dma_wait3A = arith.constant 0 : i32
      %dma_wait3A_21 = arith.constant 0 : i32
      %dma_wait3A_22 = tpu.memref_slice %arg3[%add3A, %dma_wait3A, %dma_wait3A_21] : memref<32x125x80xi32, #tpu.memory_space<hbm>> -> memref<1x125x80xi32, #tpu.memory_space<hbm>>
      %dma_wait3A_23 = tpu.memref_squeeze %dma_wait3A_22 : memref<1x125x80xi32, #tpu.memory_space<hbm>> -> memref<125x80xi32, #tpu.memory_space<hbm>>
      %dma_wait3A_24 = arith.constant 0 : i32
      %dma_wait3A_25 = arith.constant 0 : i32
      %dma_wait3A_26 = tpu.memref_slice %arg3[%add3A, %dma_wait3A_24, %dma_wait3A_25] : memref<32x125x80xi32, #tpu.memory_space<hbm>> -> memref<1x125x80xi32, #tpu.memory_space<hbm>>
      %dma_wait3A_27 = tpu.memref_squeeze %dma_wait3A_26 : memref<1x125x80xi32, #tpu.memory_space<hbm>> -> memref<125x80xi32, #tpu.memory_space<hbm>>
      tpu.wait_dma2 semaphore(%run_scoped3A : memref<!tpu.dma_semaphore, #tpu.memory_space<semaphore_mem>>) src(%dma_wait3A_27 : memref<125x80xi32, #tpu.memory_space<hbm>>) dst(%arg7 : memref<125x80xi32, #tpu.memory_space<vmem>>)
      tpu.yield
    }) : () -> ()
    "tpu.region"() ({
      %run_scoped3A = tpu.sem_alloc : memref<!tpu.dma_semaphore, #tpu.memory_space<semaphore_mem>>
      %dma_start3A = arith.constant 0 : i32
      %dma_start3A_14 = arith.constant 0 : i32
      %dma_start3A_15 = tpu.memref_slice %arg4[%add3A, %dma_start3A, %dma_start3A_14] : memref<32x125x80xi32, #tpu.memory_space<hbm>> -> memref<1x125x80xi32, #tpu.memory_space<hbm>>
      %dma_start3A_16 = tpu.memref_squeeze %dma_start3A_15 : memref<1x125x80xi32, #tpu.memory_space<hbm>> -> memref<125x80xi32, #tpu.memory_space<hbm>>
      %dma_start3A_17 = arith.constant 0 : i32
      %dma_start3A_18 = arith.constant 0 : i32
      %dma_start3A_19 = tpu.memref_slice %arg4[%add3A, %dma_start3A_17, %dma_start3A_18] : memref<32x125x80xi32, #tpu.memory_space<hbm>> -> memref<1x125x80xi32, #tpu.memory_space<hbm>>
      %dma_start3A_20 = tpu.memref_squeeze %dma_start3A_19 : memref<1x125x80xi32, #tpu.memory_space<hbm>> -> memref<125x80xi32, #tpu.memory_space<hbm>>
      tpu.enqueue_dma source(%dma_start3A_20 : memref<125x80xi32, #tpu.memory_space<hbm>>) target(%arg8 : memref<125x80xi32, #tpu.memory_space<vmem>>) target_semaphore(%run_scoped3A : memref<!tpu.dma_semaphore, #tpu.memory_space<semaphore_mem>>)
      %dma_wait3A = arith.constant 0 : i32
      %dma_wait3A_21 = arith.constant 0 : i32
      %dma_wait3A_22 = tpu.memref_slice %arg4[%add3A, %dma_wait3A, %dma_wait3A_21] : memref<32x125x80xi32, #tpu.memory_space<hbm>> -> memref<1x125x80xi32, #tpu.memory_space<hbm>>
      %dma_wait3A_23 = tpu.memref_squeeze %dma_wait3A_22 : memref<1x125x80xi32, #tpu.memory_space<hbm>> -> memref<125x80xi32, #tpu.memory_space<hbm>>
      %dma_wait3A_24 = arith.constant 0 : i32
      %dma_wait3A_25 = arith.constant 0 : i32
      %dma_wait3A_26 = tpu.memref_slice %arg4[%add3A, %dma_wait3A_24, %dma_wait3A_25] : memref<32x125x80xi32, #tpu.memory_space<hbm>> -> memref<1x125x80xi32, #tpu.memory_space<hbm>>
      %dma_wait3A_27 = tpu.memref_squeeze %dma_wait3A_26 : memref<1x125x80xi32, #tpu.memory_space<hbm>> -> memref<125x80xi32, #tpu.memory_space<hbm>>
      tpu.wait_dma2 semaphore(%run_scoped3A : memref<!tpu.dma_semaphore, #tpu.memory_space<semaphore_mem>>) src(%dma_wait3A_27 : memref<125x80xi32, #tpu.memory_space<hbm>>) dst(%arg8 : memref<125x80xi32, #tpu.memory_space<vmem>>)
      tpu.yield
    }) : () -> ()
    %barrier3A = arith.constant 0 : index
    tpu.barrier barrier_id(%barrier3A)
    %scan3A = arith.constant 0 : i32
    %scan3A_3 = arith.constant 0 : i32
    %scan3A_4 = arith.constant 125 : i32
    %scan3A_5 = arith.addi %scan3A_3, %scan3A_4 : i32
    %scan3A_6 = arith.constant 1 : i32
    scf.for %scan3A_14 = %scan3A_3 to %scan3A_5 step %scan3A_6  : i32 {
      "tpu.region"() ({
        %run_scoped3A = tpu.sem_alloc : memref<!tpu.dma_semaphore, #tpu.memory_space<semaphore_mem>>
        %dma_start3A = arith.constant 0 : i32
        %dma_start3A_15 = tpu.memref_slice %arg7[%scan3A_14, %dma_start3A] : memref<125x80xi32, #tpu.memory_space<vmem>> -> memref<1x80xi32, #tpu.memory_space<vmem>>
        %dma_start3A_16 = tpu.memref_squeeze %dma_start3A_15 : memref<1x80xi32, #tpu.memory_space<vmem>> -> memref<80xi32, #tpu.memory_space<vmem>>
        %dma_start3A_17 = arith.constant 0 : i32
        %dma_start3A_18 = arith.constant 0 : i32
        %dma_start3A_19 = tpu.memref_slice %arg2[%dma_start3A_17, %dma_start3A_18] : memref<10000x128xf32, #tpu.memory_space<hbm>> -> memref<10000x128xf32, #tpu.memory_space<hbm>>
        tpu.enqueue_indirect_dma source(%dma_start3A_19 : memref<10000x128xf32, #tpu.memory_space<hbm>>) target(%arg9 : memref<80x128xf32, #tpu.memory_space<vmem>>) offsets(%dma_start3A_16 : memref<80xi32, #tpu.memory_space<vmem>>) semaphore(%run_scoped3A : memref<!tpu.dma_semaphore, #tpu.memory_space<semaphore_mem>>)
        %dma_wait3A = arith.constant 0 : i32
        %dma_wait3A_20 = tpu.memref_slice %arg7[%scan3A_14, %dma_wait3A] : memref<125x80xi32, #tpu.memory_space<vmem>> -> memref<1x80xi32, #tpu.memory_space<vmem>>
        %dma_wait3A_21 = tpu.memref_squeeze %dma_wait3A_20 : memref<1x80xi32, #tpu.memory_space<vmem>> -> memref<80xi32, #tpu.memory_space<vmem>>
        %dma_wait3A_22 = arith.constant 0 : i32
        %dma_wait3A_23 = arith.constant 0 : i32
        %dma_wait3A_24 = tpu.memref_slice %arg2[%dma_wait3A_22, %dma_wait3A_23] : memref<10000x128xf32, #tpu.memory_space<hbm>> -> memref<10000x128xf32, #tpu.memory_space<hbm>>
        tpu.wait_indirect_dma semaphore(%run_scoped3A : memref<!tpu.dma_semaphore, #tpu.memory_space<semaphore_mem>>) src(%dma_wait3A_24 : memref<10000x128xf32, #tpu.memory_space<hbm>>) dst(%arg9 : memref<80x128xf32, #tpu.memory_space<vmem>>)
        tpu.yield
      }) : () -> ()
      "tpu.region"() ({
        %run_scoped3A = tpu.sem_alloc : memref<!tpu.dma_semaphore, #tpu.memory_space<semaphore_mem>>
        %dma_start3A = arith.constant 0 : i32
        %dma_start3A_15 = tpu.memref_slice %arg8[%scan3A_14, %dma_start3A] : memref<125x80xi32, #tpu.memory_space<vmem>> -> memref<1x80xi32, #tpu.memory_space<vmem>>
        %dma_start3A_16 = tpu.memref_squeeze %dma_start3A_15 : memref<1x80xi32, #tpu.memory_space<vmem>> -> memref<80xi32, #tpu.memory_space<vmem>>
        %dma_start3A_17 = arith.constant 0 : i32
        %dma_start3A_18 = arith.constant 0 : i32
        %dma_start3A_19 = tpu.memref_slice %arg10[%dma_start3A_17, %dma_start3A_18] : memref<10000x128xf32, #tpu.memory_space<vmem_shared>> -> memref<10000x128xf32, #tpu.memory_space<vmem_shared>>
        tpu.enqueue_indirect_dma source(%arg9 : memref<80x128xf32, #tpu.memory_space<vmem>>) target(%dma_start3A_19 : memref<10000x128xf32, #tpu.memory_space<vmem_shared>>) offsets(%dma_start3A_16 : memref<80xi32, #tpu.memory_space<vmem>>) semaphore(%run_scoped3A : memref<!tpu.dma_semaphore, #tpu.memory_space<semaphore_mem>>) {add = true}
        %dma_wait3A = arith.constant 0 : i32
        %dma_wait3A_20 = tpu.memref_slice %arg8[%scan3A_14, %dma_wait3A] : memref<125x80xi32, #tpu.memory_space<vmem>> -> memref<1x80xi32, #tpu.memory_space<vmem>>
        %dma_wait3A_21 = tpu.memref_squeeze %dma_wait3A_20 : memref<1x80xi32, #tpu.memory_space<vmem>> -> memref<80xi32, #tpu.memory_space<vmem>>
        %dma_wait3A_22 = arith.constant 0 : i32
        %dma_wait3A_23 = arith.constant 0 : i32
        %dma_wait3A_24 = tpu.memref_slice %arg10[%dma_wait3A_22, %dma_wait3A_23] : memref<10000x128xf32, #tpu.memory_space<vmem_shared>> -> memref<10000x128xf32, #tpu.memory_space<vmem_shared>>
        tpu.wait_indirect_dma semaphore(%run_scoped3A : memref<!tpu.dma_semaphore, #tpu.memory_space<semaphore_mem>>) src(%arg9 : memref<80x128xf32, #tpu.memory_space<vmem>>) dst(%dma_wait3A_24 : memref<10000x128xf32, #tpu.memory_space<vmem_shared>>)
        tpu.yield
      }) : () -> ()
    }
    %scan3A_7 = arith.constant 125 : i32
    %barrier3A_8 = arith.constant 0 : index
    tpu.barrier barrier_id(%barrier3A_8)
    %eq3A_9 = arith.constant 0 : i32
    %eq3A_10 = arith.cmpi eq, %arg1, %eq3A_9 : i32
    %convert_element_type3A_11 = arith.extui %eq3A_10 : i1 to i32
    %cond3A_12 = arith.constant 0 : i32
    %cond3A_13 = arith.cmpi ne, %convert_element_type3A_11, %cond3A_12 : i32
    scf.if %cond3A_13 {
      "tpu.region"() ({
        %run_scoped3A = tpu.sem_alloc : memref<!tpu.dma_semaphore, #tpu.memory_space<semaphore_mem>>
        %dma_start3A = arith.constant 0 : i32
        %dma_start3A_14 = arith.constant 0 : i32
        %dma_start3A_15 = tpu.memref_slice %arg6[%arg0, %dma_start3A, %dma_start3A_14] : memref<2x10000x128xf32, #tpu.memory_space<hbm>> -> memref<1x10000x128xf32, #tpu.memory_space<hbm>>
        %dma_start3A_16 = tpu.memref_squeeze %dma_start3A_15 : memref<1x10000x128xf32, #tpu.memory_space<hbm>> -> memref<10000x128xf32, #tpu.memory_space<hbm>>
        tpu.enqueue_dma source(%arg10 : memref<10000x128xf32, #tpu.memory_space<vmem_shared>>) target(%dma_start3A_16 : memref<10000x128xf32, #tpu.memory_space<hbm>>) target_semaphore(%run_scoped3A : memref<!tpu.dma_semaphore, #tpu.memory_space<semaphore_mem>>)
        %dma_wait3A = arith.constant 0 : i32
        %dma_wait3A_17 = arith.constant 0 : i32
        %dma_wait3A_18 = tpu.memref_slice %arg6[%arg0, %dma_wait3A, %dma_wait3A_17] : memref<2x10000x128xf32, #tpu.memory_space<hbm>> -> memref<1x10000x128xf32, #tpu.memory_space<hbm>>
        %dma_wait3A_19 = tpu.memref_squeeze %dma_wait3A_18 : memref<1x10000x128xf32, #tpu.memory_space<hbm>> -> memref<10000x128xf32, #tpu.memory_space<hbm>>
        tpu.wait_dma2 semaphore(%run_scoped3A : memref<!tpu.dma_semaphore, #tpu.memory_space<semaphore_mem>>) src(%arg10 : memref<10000x128xf32, #tpu.memory_space<vmem_shared>>) dst(%dma_wait3A_19 : memref<10000x128xf32, #tpu.memory_space<hbm>>)
        tpu.yield
      }) : () -> ()
    } else {
    }
    return
  }
}

module attributes {stable_mosaic.version = 14 : i64} {
  func.func @_fc1_body(%arg0: i32, %arg1: memref<2000x128xf32, #tpu.memory_space<vmem>>, %arg2: memref<128x128xf32, #tpu.memory_space<vmem>>, %arg3: memref<1x128xf32, #tpu.memory_space<vmem>>, %arg4: memref<128x1xf32, #tpu.memory_space<vmem>>, %arg5: memref<2000x128xf32, #tpu.memory_space<vmem>>, %arg6: memref<2000x1xf32, #tpu.memory_space<vmem>>) attributes {dimension_semantics = [#tpu.dimension_semantics<arbitrary>], iteration_bounds = array<i64: 5>, scalar_prefetch = 0 : i64, scratch_operands = 0 : i64, tpu.core_type = #tpu.core_type<tc>, window_params = [{transform_indices = @transform_0, window_bounds = array<i64: 2000, 128>}, {pipeline_mode = #tpu.pipeline_mode<synchronous>, transform_indices = @transform_1, window_bounds = array<i64: 128, 128>}, {pipeline_mode = #tpu.pipeline_mode<synchronous>, transform_indices = @transform_2, window_bounds = array<i64: 1, 128>}, {pipeline_mode = #tpu.pipeline_mode<synchronous>, transform_indices = @transform_3, window_bounds = array<i64: 128, 1>}, {transform_indices = @transform_4, window_bounds = array<i64: 2000, 128>}, {transform_indices = @transform_5, window_bounds = array<i64: 2000, 1>}]} {
    %get3A = arith.constant 0 : index
    %get3A_0 = arith.constant 0 : index
    %get3A_1 = vector.load %arg1[%get3A, %get3A_0] : memref<2000x128xf32, #tpu.memory_space<vmem>>, vector<2000x128xf32>
    %get3A_2 = arith.constant 0 : index
    %get3A_3 = arith.constant 0 : index
    %get3A_4 = vector.load %arg2[%get3A_2, %get3A_3] : memref<128x128xf32, #tpu.memory_space<vmem>>, vector<128x128xf32>
    %dot_general3A = arith.constant dense<0.000000e+00> : vector<2000x128xf32>
    %dot_general3A_5 = tpu.matmul %get3A_1, %get3A_4, %dot_general3A {dimension_numbers = #tpu.dot_dimension_numbers<[1], [0], [0], [1], [0, 0, 1, 1], [], []>, transpose_lhs_hint = false} : vector<2000x128xf32>, vector<128x128xf32>, vector<2000x128xf32> -> vector<2000x128xf32>
    %get3A_6 = arith.constant 0 : index
    %get3A_7 = arith.constant 0 : index
    %get3A_8 = vector.load %arg3[%get3A_6, %get3A_7] : memref<1x128xf32, #tpu.memory_space<vmem>>, vector<1x128xf32>
    %add3A = vector.broadcast %get3A_8 : vector<1x128xf32> to vector<2000x128xf32>
    %add3A_9 = arith.addf %dot_general3A_5, %add3A : vector<2000x128xf32>
    %max3A = arith.constant 0.000000e+00 : f32
    %max3A_10 = vector.broadcast %max3A : f32 to vector<2000x128xf32>
    %max3A_11 = arith.maximumf %add3A_9, %max3A_10 : vector<2000x128xf32>
    %swap3A = arith.constant 0 : index
    %swap3A_12 = arith.constant 0 : index
    %swap3A_13 = vector.load %arg5[%swap3A, %swap3A_12] : memref<2000x128xf32, #tpu.memory_space<vmem>>, vector<2000x128xf32>
    tpu.vector_store %arg5[%swap3A, %swap3A_12], %max3A_11 {strides = array<i32>} : memref<2000x128xf32, #tpu.memory_space<vmem>>, vector<2000x128xf32>,
    %get3A_14 = arith.constant 0 : index
    %get3A_15 = arith.constant 0 : index
    %get3A_16 = vector.load %arg4[%get3A_14, %get3A_15] : memref<128x1xf32, #tpu.memory_space<vmem>>, vector<128x1xf32>
    %mul3A = arith.mulf %get3A_16, %get3A_16 : vector<128x1xf32>
    %reduce_sum3A = vector.shape_cast %mul3A : vector<128x1xf32> to vector<1x128x1xf32>
    %reduce_sum3A_17 = arith.constant dense<0.000000e+00> : vector<1xf32>
    %reduce_sum3A_18 = vector.multi_reduction <add>, %reduce_sum3A, %reduce_sum3A_17 [1, 2] : vector<1x128x1xf32> to vector<1xf32>
    %reduce_sum3A_19 = vector.shape_cast %reduce_sum3A_18 : vector<1xf32> to vector<1x1x1xf32>
    %reduce_sum3A_20 = vector.extract %reduce_sum3A_19[0, 0, 0] : f32 from vector<1x1x1xf32>
    %sqrt3A = math.sqrt %reduce_sum3A_20 : f32
    %add3A_21 = arith.constant 1.000000e-16 : f32
    %add3A_22 = arith.addf %sqrt3A, %add3A_21 : f32
    %dot_general3A_23 = arith.constant dense<0.000000e+00> : vector<2000x1xf32>
    %dot_general3A_24 = tpu.matmul %max3A_11, %get3A_16, %dot_general3A_23 {dimension_numbers = #tpu.dot_dimension_numbers<[1], [0], [0], [1], [0, 0, 1, 1], [], []>, transpose_lhs_hint = false} : vector<2000x128xf32>, vector<128x1xf32>, vector<2000x1xf32> -> vector<2000x1xf32>
    %div3A = vector.broadcast %add3A_22 : f32 to vector<2000x1xf32>
    %div3A_25 = arith.divf %dot_general3A_24, %div3A : vector<2000x1xf32>
    %tanh3A = math.tanh %div3A_25 : vector<2000x1xf32>
    %swap3A_26 = arith.constant 0 : index
    %swap3A_27 = arith.constant 0 : index
    %swap3A_28 = vector.load %arg6[%swap3A_26, %swap3A_27] : memref<2000x1xf32, #tpu.memory_space<vmem>>, vector<2000x1xf32>
    tpu.vector_store %arg6[%swap3A_26, %swap3A_27], %tanh3A {strides = array<i32>} : memref<2000x1xf32, #tpu.memory_space<vmem>>, vector<2000x1xf32>,
    return
  }
  func.func @transform_0(%arg0: i32) -> (i32, i32) {
    %c0_i32 = arith.constant 0 : i32
    %c0_i32_0 = arith.constant 0 : i32
    return %arg0, %c0_i32 : i32, i32
  }
  func.func @transform_1(%arg0: i32) -> (i32, i32) {
    %c0_i32 = arith.constant 0 : i32
    %c0_i32_0 = arith.constant 0 : i32
    %c0_i32_1 = arith.constant 0 : i32
    return %c0_i32, %c0_i32_0 : i32, i32
  }
  func.func @transform_2(%arg0: i32) -> (i32, i32) {
    %c0_i32 = arith.constant 0 : i32
    %c0_i32_0 = arith.constant 0 : i32
    %c0_i32_1 = arith.constant 0 : i32
    return %c0_i32, %c0_i32_0 : i32, i32
  }
  func.func @transform_3(%arg0: i32) -> (i32, i32) {
    %c0_i32 = arith.constant 0 : i32
    %c0_i32_0 = arith.constant 0 : i32
    %c0_i32_1 = arith.constant 0 : i32
    return %c0_i32, %c0_i32_0 : i32, i32
  }
  func.func @transform_4(%arg0: i32) -> (i32, i32) {
    %c0_i32 = arith.constant 0 : i32
    %c0_i32_0 = arith.constant 0 : i32
    return %arg0, %c0_i32 : i32, i32
  }
  func.func @transform_5(%arg0: i32) -> (i32, i32) {
    %c0_i32 = arith.constant 0 : i32
    %c0_i32_0 = arith.constant 0 : i32
    return %arg0, %c0_i32 : i32, i32
  }
}

module attributes {stable_mosaic.version = 14 : i64} {
  func.func @_gru_body(%arg0: i32, %arg1: memref<128xi32, #tpu.memory_space<smem>>, %arg2: memref<128xf32, #tpu.memory_space<smem>>, %arg3: memref<10000x128xf32, #tpu.memory_space<vmem>>, %arg4: memref<128x128xf32, #tpu.memory_space<vmem>>, %arg5: memref<128x384xf32, #tpu.memory_space<vmem>>, %arg6: memref<128x384xf32, #tpu.memory_space<vmem>>, %arg7: memref<1x384xf32, #tpu.memory_space<vmem>>, %arg8: memref<1x384xf32, #tpu.memory_space<vmem>>, %arg9: memref<128x128xf32, #tpu.memory_space<vmem>>, %arg10: memref<128x128xf32, #tpu.memory_space<vmem>>) attributes {dimension_semantics = [#tpu.dimension_semantics<arbitrary>], iteration_bounds = array<i64: 1>, scalar_prefetch = 2 : i64, scratch_operands = 1 : i64, tpu.core_type = #tpu.core_type<tc>, window_params = [{pipeline_mode = #tpu.pipeline_mode<synchronous>, transform_indices = @transform_0, window_bounds = array<i64: 10000, 128>}, {pipeline_mode = #tpu.pipeline_mode<synchronous>, transform_indices = @transform_1, window_bounds = array<i64: 128, 128>}, {pipeline_mode = #tpu.pipeline_mode<synchronous>, transform_indices = @transform_2, window_bounds = array<i64: 128, 384>}, {pipeline_mode = #tpu.pipeline_mode<synchronous>, transform_indices = @transform_3, window_bounds = array<i64: 128, 384>}, {pipeline_mode = #tpu.pipeline_mode<synchronous>, transform_indices = @transform_4, window_bounds = array<i64: 1, 384>}, {pipeline_mode = #tpu.pipeline_mode<synchronous>, transform_indices = @transform_5, window_bounds = array<i64: 1, 384>}, {pipeline_mode = #tpu.pipeline_mode<synchronous>, transform_indices = @transform_6, window_bounds = array<i64: 128, 128>}]} {
    %scan3A = arith.constant 0 : i32
    %scan3A_0 = arith.constant 128 : i32
    %scan3A_1 = arith.addi %scan3A, %scan3A_0 : i32
    %scan3A_2 = arith.constant 1 : i32
    scf.for %scan3A_56 = %scan3A to %scan3A_1 step %scan3A_2  : i32 {
      %get3A_57 = arith.index_cast %scan3A_56 : i32 to index
      %get3A_58 = memref.load %arg1[%get3A_57] : memref<128xi32, #tpu.memory_space<smem>>
      %get3A_59 = arith.index_cast %get3A_58 : i32 to index
      %get3A_60 = arith.constant 0 : index
      %get3A_61 = vector.load %arg3[%get3A_59, %get3A_60] : memref<10000x128xf32, #tpu.memory_space<vmem>>, vector<1x128xf32>
      %get3A_62 = arith.index_cast %scan3A_56 : i32 to index
      %get3A_63 = memref.load %arg2[%get3A_62] : memref<128xf32, #tpu.memory_space<smem>>
      %mul3A_64 = vector.broadcast %get3A_63 : f32 to vector<1x128xf32>
      %mul3A_65 = arith.mulf %get3A_61, %mul3A_64 : vector<1x128xf32>
      %swap3A_66 = arith.index_cast %scan3A_56 : i32 to index
      %swap3A_67 = arith.constant 0 : index
      %swap3A_68 = vector.load %arg10[%swap3A_66, %swap3A_67] : memref<128x128xf32, #tpu.memory_space<vmem>>, vector<1x128xf32>
      tpu.vector_store %arg10[%swap3A_66, %swap3A_67], %mul3A_65 {strides = array<i32>} : memref<128x128xf32, #tpu.memory_space<vmem>>, vector<1x128xf32>,
    }
    %scan3A_3 = arith.constant 128 : i32
    %get3A = arith.constant 0 : index
    %get3A_4 = arith.constant 0 : index
    %get3A_5 = vector.load %arg10[%get3A, %get3A_4] : memref<128x128xf32, #tpu.memory_space<vmem>>, vector<128x128xf32>
    %get3A_6 = arith.constant 0 : index
    %get3A_7 = arith.constant 0 : index
    %get3A_8 = vector.load %arg5[%get3A_6, %get3A_7] : memref<128x384xf32, #tpu.memory_space<vmem>>, vector<128x384xf32>
    %dot_general3A = arith.constant dense<0.000000e+00> : vector<128x384xf32>
    %dot_general3A_9 = tpu.matmul %get3A_5, %get3A_8, %dot_general3A {dimension_numbers = #tpu.dot_dimension_numbers<[1], [0], [0], [1], [0, 0, 1, 1], [], []>, transpose_lhs_hint = false} : vector<128x128xf32>, vector<128x384xf32>, vector<128x384xf32> -> vector<128x384xf32>
    %get3A_10 = arith.constant 0 : index
    %get3A_11 = arith.constant 0 : index
    %get3A_12 = vector.load %arg7[%get3A_10, %get3A_11] : memref<1x384xf32, #tpu.memory_space<vmem>>, vector<1x384xf32>
    %add3A = vector.broadcast %get3A_12 : vector<1x384xf32> to vector<128x384xf32>
    %add3A_13 = arith.addf %dot_general3A_9, %add3A : vector<128x384xf32>
    %get3A_14 = arith.constant 0 : index
    %get3A_15 = arith.constant 0 : index
    %get3A_16 = vector.load %arg4[%get3A_14, %get3A_15] : memref<128x128xf32, #tpu.memory_space<vmem>>, vector<128x128xf32>
    %get3A_17 = arith.constant 0 : index
    %get3A_18 = arith.constant 0 : index
    %get3A_19 = vector.load %arg6[%get3A_17, %get3A_18] : memref<128x384xf32, #tpu.memory_space<vmem>>, vector<128x384xf32>
    %dot_general3A_20 = arith.constant dense<0.000000e+00> : vector<128x384xf32>
    %dot_general3A_21 = tpu.matmul %get3A_16, %get3A_19, %dot_general3A_20 {dimension_numbers = #tpu.dot_dimension_numbers<[1], [0], [0], [1], [0, 0, 1, 1], [], []>, transpose_lhs_hint = false} : vector<128x128xf32>, vector<128x384xf32>, vector<128x384xf32> -> vector<128x384xf32>
    %get3A_22 = arith.constant 0 : index
    %get3A_23 = arith.constant 0 : index
    %get3A_24 = vector.load %arg8[%get3A_22, %get3A_23] : memref<1x384xf32, #tpu.memory_space<vmem>>, vector<1x384xf32>
    %add3A_25 = vector.broadcast %get3A_24 : vector<1x384xf32> to vector<128x384xf32>
    %add3A_26 = arith.addf %dot_general3A_21, %add3A_25 : vector<128x384xf32>
    %slice3A = vector.extract_strided_slice %add3A_13 {offsets = [0, 0], sizes = [128, 128], strides = [1, 1]} : vector<128x384xf32> to vector<128x128xf32>
    %slice3A_27 = vector.extract_strided_slice %add3A_26 {offsets = [0, 0], sizes = [128, 128], strides = [1, 1]} : vector<128x384xf32> to vector<128x128xf32>
    %add3A_28 = arith.addf %slice3A, %slice3A_27 : vector<128x128xf32>
    %logistic3A = arith.negf %add3A_28 : vector<128x128xf32>
    %logistic3A_29 = math.exp %logistic3A : vector<128x128xf32>
    %logistic3A_30 = arith.constant 1.000000e+00 : f32
    %logistic3A_31 = vector.broadcast %logistic3A_30 : f32 to vector<128x128xf32>
    %logistic3A_32 = arith.addf %logistic3A_31, %logistic3A_29 : vector<128x128xf32>
    %logistic3A_33 = arith.divf %logistic3A_31, %logistic3A_32 : vector<128x128xf32>
    %slice3A_34 = vector.extract_strided_slice %add3A_13 {offsets = [0, 128], sizes = [128, 128], strides = [1, 1]} : vector<128x384xf32> to vector<128x128xf32>
    %slice3A_35 = vector.extract_strided_slice %add3A_26 {offsets = [0, 128], sizes = [128, 128], strides = [1, 1]} : vector<128x384xf32> to vector<128x128xf32>
    %add3A_36 = arith.addf %slice3A_34, %slice3A_35 : vector<128x128xf32>
    %logistic3A_37 = arith.negf %add3A_36 : vector<128x128xf32>
    %logistic3A_38 = math.exp %logistic3A_37 : vector<128x128xf32>
    %logistic3A_39 = arith.constant 1.000000e+00 : f32
    %logistic3A_40 = vector.broadcast %logistic3A_39 : f32 to vector<128x128xf32>
    %logistic3A_41 = arith.addf %logistic3A_40, %logistic3A_38 : vector<128x128xf32>
    %logistic3A_42 = arith.divf %logistic3A_40, %logistic3A_41 : vector<128x128xf32>
    %slice3A_43 = vector.extract_strided_slice %add3A_13 {offsets = [0, 256], sizes = [128, 128], strides = [1, 1]} : vector<128x384xf32> to vector<128x128xf32>
    %slice3A_44 = vector.extract_strided_slice %add3A_26 {offsets = [0, 256], sizes = [128, 128], strides = [1, 1]} : vector<128x384xf32> to vector<128x128xf32>
    %mul3A = arith.mulf %logistic3A_33, %slice3A_44 : vector<128x128xf32>
    %add3A_45 = arith.addf %slice3A_43, %mul3A : vector<128x128xf32>
    %tanh3A = math.tanh %add3A_45 : vector<128x128xf32>
    %sub3A = arith.constant 1.000000e+00 : f32
    %sub3A_46 = vector.broadcast %sub3A : f32 to vector<128x128xf32>
    %sub3A_47 = arith.subf %sub3A_46, %logistic3A_42 : vector<128x128xf32>
    %mul3A_48 = arith.mulf %sub3A_47, %tanh3A : vector<128x128xf32>
    %get3A_49 = arith.constant 0 : index
    %get3A_50 = arith.constant 0 : index
    %get3A_51 = vector.load %arg4[%get3A_49, %get3A_50] : memref<128x128xf32, #tpu.memory_space<vmem>>, vector<128x128xf32>
    %mul3A_52 = arith.mulf %logistic3A_42, %get3A_51 : vector<128x128xf32>
    %add3A_53 = arith.addf %mul3A_48, %mul3A_52 : vector<128x128xf32>
    %swap3A = arith.constant 0 : index
    %swap3A_54 = arith.constant 0 : index
    %swap3A_55 = vector.load %arg9[%swap3A, %swap3A_54] : memref<128x128xf32, #tpu.memory_space<vmem>>, vector<128x128xf32>
    tpu.vector_store %arg9[%swap3A, %swap3A_54], %add3A_53 {strides = array<i32>} : memref<128x128xf32, #tpu.memory_space<vmem>>, vector<128x128xf32>,
    return
  }
  func.func @transform_0(%arg0: i32, %arg1: memref<128xi32, #tpu.memory_space<smem>>, %arg2: memref<128xf32, #tpu.memory_space<smem>>) -> (i32, i32) {
    %c0_i32 = arith.constant 0 : i32
    %c0_i32_0 = arith.constant 0 : i32
    %c0_i32_1 = arith.constant 0 : i32
    return %c0_i32, %c0_i32_0 : i32, i32
  }
  func.func @transform_1(%arg0: i32, %arg1: memref<128xi32, #tpu.memory_space<smem>>, %arg2: memref<128xf32, #tpu.memory_space<smem>>) -> (i32, i32) {
    %c0_i32 = arith.constant 0 : i32
    %c0_i32_0 = arith.constant 0 : i32
    %c0_i32_1 = arith.constant 0 : i32
    return %c0_i32, %c0_i32_0 : i32, i32
  }
  func.func @transform_2(%arg0: i32, %arg1: memref<128xi32, #tpu.memory_space<smem>>, %arg2: memref<128xf32, #tpu.memory_space<smem>>) -> (i32, i32) {
    %c0_i32 = arith.constant 0 : i32
    %c0_i32_0 = arith.constant 0 : i32
    %c0_i32_1 = arith.constant 0 : i32
    return %c0_i32, %c0_i32_0 : i32, i32
  }
  func.func @transform_3(%arg0: i32, %arg1: memref<128xi32, #tpu.memory_space<smem>>, %arg2: memref<128xf32, #tpu.memory_space<smem>>) -> (i32, i32) {
    %c0_i32 = arith.constant 0 : i32
    %c0_i32_0 = arith.constant 0 : i32
    %c0_i32_1 = arith.constant 0 : i32
    return %c0_i32, %c0_i32_0 : i32, i32
  }
  func.func @transform_4(%arg0: i32, %arg1: memref<128xi32, #tpu.memory_space<smem>>, %arg2: memref<128xf32, #tpu.memory_space<smem>>) -> (i32, i32) {
    %c0_i32 = arith.constant 0 : i32
    %c0_i32_0 = arith.constant 0 : i32
    %c0_i32_1 = arith.constant 0 : i32
    return %c0_i32, %c0_i32_0 : i32, i32
  }
  func.func @transform_5(%arg0: i32, %arg1: memref<128xi32, #tpu.memory_space<smem>>, %arg2: memref<128xf32, #tpu.memory_space<smem>>) -> (i32, i32) {
    %c0_i32 = arith.constant 0 : i32
    %c0_i32_0 = arith.constant 0 : i32
    %c0_i32_1 = arith.constant 0 : i32
    return %c0_i32, %c0_i32_0 : i32, i32
  }
  func.func @transform_6(%arg0: i32, %arg1: memref<128xi32, #tpu.memory_space<smem>>, %arg2: memref<128xf32, #tpu.memory_space<smem>>) -> (i32, i32) {
    %c0_i32 = arith.constant 0 : i32
    %c0_i32_0 = arith.constant 0 : i32
    %c0_i32_1 = arith.constant 0 : i32
    return %c0_i32, %c0_i32_0 : i32, i32
  }
}

module attributes {stable_mosaic.version = 14 : i64} {
  func.func @_xw_body(%arg0: i32, %arg1: memref<2000x128xf32, #tpu.memory_space<vmem>>, %arg2: memref<128x128xf32, #tpu.memory_space<vmem>>, %arg3: memref<2000x1xf32, #tpu.memory_space<vmem>>, %arg4: memref<2000x1xf32, #tpu.memory_space<vmem>>, %arg5: memref<2000x128xf32, #tpu.memory_space<vmem>>, %arg6: memref<2000x1xf32, #tpu.memory_space<vmem>>) attributes {dimension_semantics = [#tpu.dimension_semantics<arbitrary>], iteration_bounds = array<i64: 5>, scalar_prefetch = 0 : i64, scratch_operands = 0 : i64, tpu.core_type = #tpu.core_type<tc>, window_params = [{transform_indices = @transform_0, window_bounds = array<i64: 2000, 128>}, {pipeline_mode = #tpu.pipeline_mode<synchronous>, transform_indices = @transform_1, window_bounds = array<i64: 128, 128>}, {transform_indices = @transform_2, window_bounds = array<i64: 2000, 1>}, {transform_indices = @transform_3, window_bounds = array<i64: 2000, 1>}, {transform_indices = @transform_4, window_bounds = array<i64: 2000, 128>}, {transform_indices = @transform_5, window_bounds = array<i64: 2000, 1>}]} {
    %get3A = arith.constant 0 : index
    %get3A_0 = arith.constant 0 : index
    %get3A_1 = vector.load %arg3[%get3A, %get3A_0] : memref<2000x1xf32, #tpu.memory_space<vmem>>, vector<2000x1xf32>
    %get3A_2 = arith.constant 0 : index
    %get3A_3 = arith.constant 0 : index
    %get3A_4 = vector.load %arg4[%get3A_2, %get3A_3] : memref<2000x1xf32, #tpu.memory_space<vmem>>, vector<2000x1xf32>
    %add3A = arith.addf %get3A_1, %get3A_4 : vector<2000x1xf32>
    %add3A_5 = arith.constant 1.000000e+00 : f32
    %add3A_6 = vector.broadcast %add3A_5 : f32 to vector<2000x1xf32>
    %add3A_7 = arith.addf %add3A, %add3A_6 : vector<2000x1xf32>
    %rsqrt3A = math.rsqrt %add3A_7 : vector<2000x1xf32>
    %get3A_8 = arith.constant 0 : index
    %get3A_9 = arith.constant 0 : index
    %get3A_10 = vector.load %arg1[%get3A_8, %get3A_9] : memref<2000x128xf32, #tpu.memory_space<vmem>>, vector<2000x128xf32>
    %get3A_11 = arith.constant 0 : index
    %get3A_12 = arith.constant 0 : index
    %get3A_13 = vector.load %arg2[%get3A_11, %get3A_12] : memref<128x128xf32, #tpu.memory_space<vmem>>, vector<128x128xf32>
    %dot_general3A = arith.constant dense<0.000000e+00> : vector<2000x128xf32>
    %dot_general3A_14 = tpu.matmul %get3A_10, %get3A_13, %dot_general3A {dimension_numbers = #tpu.dot_dimension_numbers<[1], [0], [0], [1], [0, 0, 1, 1], [], []>, transpose_lhs_hint = false} : vector<2000x128xf32>, vector<128x128xf32>, vector<2000x128xf32> -> vector<2000x128xf32>
    %mul3A = vector.broadcast %rsqrt3A : vector<2000x1xf32> to vector<2000x128xf32>
    %mul3A_15 = arith.mulf %dot_general3A_14, %mul3A : vector<2000x128xf32>
    %swap3A = arith.constant 0 : index
    %swap3A_16 = arith.constant 0 : index
    %swap3A_17 = vector.load %arg5[%swap3A, %swap3A_16] : memref<2000x128xf32, #tpu.memory_space<vmem>>, vector<2000x128xf32>
    tpu.vector_store %arg5[%swap3A, %swap3A_16], %mul3A_15 {strides = array<i32>} : memref<2000x128xf32, #tpu.memory_space<vmem>>, vector<2000x128xf32>,
    %swap3A_18 = arith.constant 0 : index
    %swap3A_19 = arith.constant 0 : index
    %swap3A_20 = vector.load %arg6[%swap3A_18, %swap3A_19] : memref<2000x1xf32, #tpu.memory_space<vmem>>, vector<2000x1xf32>
    tpu.vector_store %arg6[%swap3A_18, %swap3A_19], %rsqrt3A {strides = array<i32>} : memref<2000x1xf32, #tpu.memory_space<vmem>>, vector<2000x1xf32>,
    return
  }
  func.func @transform_0(%arg0: i32) -> (i32, i32) {
    %c0_i32 = arith.constant 0 : i32
    %c0_i32_0 = arith.constant 0 : i32
    return %arg0, %c0_i32 : i32, i32
  }
  func.func @transform_1(%arg0: i32) -> (i32, i32) {
    %c0_i32 = arith.constant 0 : i32
    %c0_i32_0 = arith.constant 0 : i32
    %c0_i32_1 = arith.constant 0 : i32
    return %c0_i32, %c0_i32_0 : i32, i32
  }
  func.func @transform_2(%arg0: i32) -> (i32, i32) {
    %c0_i32 = arith.constant 0 : i32
    %c0_i32_0 = arith.constant 0 : i32
    return %arg0, %c0_i32 : i32, i32
  }
  func.func @transform_3(%arg0: i32) -> (i32, i32) {
    %c0_i32 = arith.constant 0 : i32
    %c0_i32_0 = arith.constant 0 : i32
    return %arg0, %c0_i32 : i32, i32
  }
  func.func @transform_4(%arg0: i32) -> (i32, i32) {
    %c0_i32 = arith.constant 0 : i32
    %c0_i32_0 = arith.constant 0 : i32
    return %arg0, %c0_i32 : i32, i32
  }
  func.func @transform_5(%arg0: i32) -> (i32, i32) {
    %c0_i32 = arith.constant 0 : i32
    %c0_i32_0 = arith.constant 0 : i32
    return %arg0, %c0_i32 : i32, i32
  }
}

module attributes {stable_mosaic.version = 14 : i64} {
  func.func @_fc2_body(%arg0: i32, %arg1: memref<2000x128xf32, #tpu.memory_space<vmem>>, %arg2: memref<2000x128xf32, #tpu.memory_space<vmem>>, %arg3: memref<2000x128xf32, #tpu.memory_space<vmem>>, %arg4: memref<2000x128xf32, #tpu.memory_space<vmem>>, %arg5: memref<2000x1xf32, #tpu.memory_space<vmem>>, %arg6: memref<128x16xf32, #tpu.memory_space<vmem>>, %arg7: memref<128x16xf32, #tpu.memory_space<vmem>>, %arg8: memref<1x16xf32, #tpu.memory_space<vmem>>, %arg9: memref<2000x16xf32, #tpu.memory_space<vmem>>) attributes {dimension_semantics = [#tpu.dimension_semantics<arbitrary>], iteration_bounds = array<i64: 5>, scalar_prefetch = 0 : i64, scratch_operands = 0 : i64, tpu.core_type = #tpu.core_type<tc>, window_params = [{transform_indices = @transform_0, window_bounds = array<i64: 2000, 128>}, {transform_indices = @transform_1, window_bounds = array<i64: 2000, 128>}, {transform_indices = @transform_2, window_bounds = array<i64: 2000, 128>}, {transform_indices = @transform_3, window_bounds = array<i64: 2000, 128>}, {transform_indices = @transform_4, window_bounds = array<i64: 2000, 1>}, {pipeline_mode = #tpu.pipeline_mode<synchronous>, transform_indices = @transform_5, window_bounds = array<i64: 128, 16>}, {pipeline_mode = #tpu.pipeline_mode<synchronous>, transform_indices = @transform_6, window_bounds = array<i64: 128, 16>}, {pipeline_mode = #tpu.pipeline_mode<synchronous>, transform_indices = @transform_7, window_bounds = array<i64: 1, 16>}, {transform_indices = @transform_8, window_bounds = array<i64: 2000, 16>}]} {
    %get3A = arith.constant 0 : index
    %get3A_0 = arith.constant 0 : index
    %get3A_1 = vector.load %arg3[%get3A, %get3A_0] : memref<2000x128xf32, #tpu.memory_space<vmem>>, vector<2000x128xf32>
    %get3A_2 = arith.constant 0 : index
    %get3A_3 = arith.constant 0 : index
    %get3A_4 = vector.load %arg4[%get3A_2, %get3A_3] : memref<2000x128xf32, #tpu.memory_space<vmem>>, vector<2000x128xf32>
    %add3A = arith.addf %get3A_1, %get3A_4 : vector<2000x128xf32>
    %get3A_5 = arith.constant 0 : index
    %get3A_6 = arith.constant 0 : index
    %get3A_7 = vector.load %arg2[%get3A_5, %get3A_6] : memref<2000x128xf32, #tpu.memory_space<vmem>>, vector<2000x128xf32>
    %add3A_8 = arith.addf %add3A, %get3A_7 : vector<2000x128xf32>
    %get3A_9 = arith.constant 0 : index
    %get3A_10 = arith.constant 0 : index
    %get3A_11 = vector.load %arg5[%get3A_9, %get3A_10] : memref<2000x1xf32, #tpu.memory_space<vmem>>, vector<2000x1xf32>
    %mul3A = vector.broadcast %get3A_11 : vector<2000x1xf32> to vector<2000x128xf32>
    %mul3A_12 = arith.mulf %add3A_8, %mul3A : vector<2000x128xf32>
    %get3A_13 = arith.constant 0 : index
    %get3A_14 = arith.constant 0 : index
    %get3A_15 = vector.load %arg1[%get3A_13, %get3A_14] : memref<2000x128xf32, #tpu.memory_space<vmem>>, vector<2000x128xf32>
    %get3A_16 = arith.constant 0 : index
    %get3A_17 = arith.constant 0 : index
    %get3A_18 = vector.load %arg6[%get3A_16, %get3A_17] : memref<128x16xf32, #tpu.memory_space<vmem>>, vector<128x16xf32>
    %dot_general3A = arith.constant dense<0.000000e+00> : vector<2000x16xf32>
    %dot_general3A_19 = tpu.matmul %get3A_15, %get3A_18, %dot_general3A {dimension_numbers = #tpu.dot_dimension_numbers<[1], [0], [0], [1], [0, 0, 1, 1], [], []>, transpose_lhs_hint = false} : vector<2000x128xf32>, vector<128x16xf32>, vector<2000x16xf32> -> vector<2000x16xf32>
    %get3A_20 = arith.constant 0 : index
    %get3A_21 = arith.constant 0 : index
    %get3A_22 = vector.load %arg7[%get3A_20, %get3A_21] : memref<128x16xf32, #tpu.memory_space<vmem>>, vector<128x16xf32>
    %dot_general3A_23 = arith.constant dense<0.000000e+00> : vector<2000x16xf32>
    %dot_general3A_24 = tpu.matmul %mul3A_12, %get3A_22, %dot_general3A_23 {dimension_numbers = #tpu.dot_dimension_numbers<[1], [0], [0], [1], [0, 0, 1, 1], [], []>, transpose_lhs_hint = false} : vector<2000x128xf32>, vector<128x16xf32>, vector<2000x16xf32> -> vector<2000x16xf32>
    %add3A_25 = arith.addf %dot_general3A_19, %dot_general3A_24 : vector<2000x16xf32>
    %get3A_26 = arith.constant 0 : index
    %get3A_27 = arith.constant 0 : index
    %get3A_28 = vector.load %arg8[%get3A_26, %get3A_27] : memref<1x16xf32, #tpu.memory_space<vmem>>, vector<1x16xf32>
    %add3A_29 = vector.broadcast %get3A_28 : vector<1x16xf32> to vector<2000x16xf32>
    %add3A_30 = arith.addf %add3A_25, %add3A_29 : vector<2000x16xf32>
    %swap3A = arith.constant 0 : index
    %swap3A_31 = arith.constant 0 : index
    %swap3A_32 = vector.load %arg9[%swap3A, %swap3A_31] : memref<2000x16xf32, #tpu.memory_space<vmem>>, vector<2000x16xf32>
    tpu.vector_store %arg9[%swap3A, %swap3A_31], %add3A_30 {strides = array<i32>} : memref<2000x16xf32, #tpu.memory_space<vmem>>, vector<2000x16xf32>,
    return
  }
  func.func @transform_0(%arg0: i32) -> (i32, i32) {
    %c0_i32 = arith.constant 0 : i32
    %c0_i32_0 = arith.constant 0 : i32
    return %arg0, %c0_i32 : i32, i32
  }
  func.func @transform_1(%arg0: i32) -> (i32, i32) {
    %c0_i32 = arith.constant 0 : i32
    %c0_i32_0 = arith.constant 0 : i32
    return %arg0, %c0_i32 : i32, i32
  }
  func.func @transform_2(%arg0: i32) -> (i32, i32) {
    %c0_i32 = arith.constant 0 : i32
    %c0_i32_0 = arith.constant 0 : i32
    return %arg0, %c0_i32 : i32, i32
  }
  func.func @transform_3(%arg0: i32) -> (i32, i32) {
    %c0_i32 = arith.constant 0 : i32
    %c0_i32_0 = arith.constant 0 : i32
    return %arg0, %c0_i32 : i32, i32
  }
  func.func @transform_4(%arg0: i32) -> (i32, i32) {
    %c0_i32 = arith.constant 0 : i32
    %c0_i32_0 = arith.constant 0 : i32
    return %arg0, %c0_i32 : i32, i32
  }
  func.func @transform_5(%arg0: i32) -> (i32, i32) {
    %c0_i32 = arith.constant 0 : i32
    %c0_i32_0 = arith.constant 0 : i32
    %c0_i32_1 = arith.constant 0 : i32
    return %c0_i32, %c0_i32_0 : i32, i32
  }
  func.func @transform_6(%arg0: i32) -> (i32, i32) {
    %c0_i32 = arith.constant 0 : i32
    %c0_i32_0 = arith.constant 0 : i32
    %c0_i32_1 = arith.constant 0 : i32
    return %c0_i32, %c0_i32_0 : i32, i32
  }
  func.func @transform_7(%arg0: i32) -> (i32, i32) {
    %c0_i32 = arith.constant 0 : i32
    %c0_i32_0 = arith.constant 0 : i32
    %c0_i32_1 = arith.constant 0 : i32
    return %c0_i32, %c0_i32_0 : i32, i32
  }
  func.func @transform_8(%arg0: i32) -> (i32, i32) {
    %c0_i32 = arith.constant 0 : i32
    %c0_i32_0 = arith.constant 0 : i32
    return %arg0, %c0_i32 : i32, i32
  }
}

</mosaic_0001>

<sc_bundles>
// kernel: kernel.11.cloned.1.call-start
scs
__scs_entry_jumppad:
0x0: {  	(pc) =	sbr.rel $0x88, $3  }
0x1: {  	(tag) =	ssettag $0x0;
	lr =	simm.s32 $0x1  }
0x2: {  	[smem:$0x3F95] =	sst lr;
	_ =	strace $0xD0000000  }
0x3: {  	_ = 	snop  }
0x4: {  	_ = 	snop  }
0x5: {  	_ = 	snop  }
0x6: {  	_ = 	snop  }
0x7: {  	_ = 	snop  }
__scs_overlays_trampoline_lowered:
0x8: {  	[smem:$0x3FA4] =	sst s0  }
0x9: {  	[smem:$0x3FA5] =	sst s1  }
0xa: {  	[smem:$0x3FA6] =	sst s2  }
0xb: {  	[smem:$0x3FA7] =	sst s3  }
0xc: {  	[smem:$0x3FA8] =	sst s4  }
0xd: {  	[smem:$0x3FA9] =	sst s5  }
0xe: {  	[smem:$0x3FAA] =	sst s6  }
0xf: {  	[smem:$0x3FAB] =	sst s7  }
0x10: {  	[smem:$0x3FAC] =	sst s8  }
0x11: {  	[smem:$0x3FAD] =	sst s9;
	s0 =	simm.s32 @!p0 $0x0  }
0x12: {  	s1 =	sld [smem:$0x3F93];
	s0 =	simm.s32 @p0 $0x1  }
0x13: {  	[smem:$0x3FAE] =	sst s0;
	s0 =	simm.s32 @!p1 $0x0  }
0x14: {  	s2 =	sld [smem:$0x3F92];
	s0 =	simm.s32 @p1 $0x1  }
0x15: {  	[smem:$0x3FAF] =	sst s0;
	s0 =	simm.s32 @!p2 $0x0  }
0x16: {  	s3 =	sld [smem:$0x3FDB];
	s0 =	simm.s32 @p2 $0x1  }
0x17: {  	s4 =	simm.s32 $0x1BF5;
	[smem:$0x3FB1] =	sst s0  }
0x18: {  	s0 =	sld [smem:$0x3F94];
	_ =	swait.ge [sflag:s4], $0x0  }
0x19: {  	s7 =	sld [smem:$0x3F95]  }
0x1a: {  	s8 =	sadd.s32 $0xFFFFE003, lr  }
0x1b: {  	s9 =	sadd.s32 $0xFFFFFEF7, lr;
	s5 =	simm.s32 $0xFFFFFFFF;
	p2 =	slt.u32 s8, $0xFFFFF086  }
0x1c: {  	p1 =	slt.u32 s9, $0xF7A;
	s5 =	simm.s32 @!p2 $0x0  }
0x1d: {  	s5 =	simm.s32 @p1 $0x1;
	p0 =	seq.s32 s7, s2  }
0x1e: {  	s7 =	smul.u32 @!p0 $0xF7A, s2;
	p2 =	seq.s32 @!p0 s5, $0x0  }
0x1f: {  	s9 =	smul.u32 $0xF7A, s1;
	s8 =	simm.s32 @!p0 $0x1BF5;
	p2 =	por !p2, p0  }
0x20: {  	[sflag:s8] =	ssyncset.s32 @!p0 $0xFFFFF086;
	s6 =	sadd.s32 @!p0 s3, s7;
	s7 =	simm.s32 @!p0 $0x108  }
0x21: {  	s3 =	sadd.s32 s3, s9;
	s6 =	sadd.s32 @!p0 $0x88, s6;
	s7 =	simm.s32 @p2 $0x1082  }
0x22: {  	[simem:s7], [sflag:s8] =	dma.local @!p0 [hbm:s6], $0xF7A  }
0x23: {  	s9 =	sor.u32 $0xD0000000, s2;
	s6 =	simm.s32 $0x108;
	_ =	swait.ge @!p0 [sflag:s8], $0x0  }
0x24: {  	s3 =	sadd.s32 $0x88, s3;
	s6 =	simm.s32 @!p1 $0x1082;
	[sflag:s4] =	ssyncset.s32 $0xFFFFF086  }
0x25: {  	[simem:s6], [sflag:s4] =	dma.local [hbm:s3], $0xF7A  }
0x26: {  	[smem:$0x3F95] =	sst s1;
	(tag) =	ssettag s2;
	_ =	strace s9  }
0x27: {  	s1 =	sld [smem:$0x3FA5]  }
0x28: {  	s2 =	sld [smem:$0x3FA6]  }
0x29: {  	s4 =	sld [smem:$0x3FA8]  }
0x2a: {  	p0 =	seq.s32 s5, $0x0;
	s5 =	sld [smem:$0x3FA9]  }
0x2b: {  	s6 =	sld [smem:$0x3FAA]  }
0x2c: {  	s7 =	sld [smem:$0x3FAB]  }
0x2d: {  	s3 =	simm.s32 $0x108;
	s8 =	sld [smem:$0x3FAC]  }
0x2e: {  	s3 =	simm.s32 @!p0 $0x1082;
	s9 =	sld [smem:$0x3FAD]  }
0x2f: {  	lr =	sadd.s32 s0, s3;
	s0 =	sld [smem:$0x3FA4]  }
0x30: {  	s3 =	sld [smem:$0x3FA7]  }
0x31: {  	[smem:$0x3FB0] =	sst s10  }
0x32: {  	s10 =	sld [smem:$0x3FAE];
	_ =	sdelay $0x3  }
0x33: {  	p0 =	seq.s32 s10, $0x1;
	s10 =	sld [smem:$0x3FB0];
	_ =	sdelay $0x3  }
0x34: {  	[smem:$0x3FB0] =	sst s10  }
0x35: {  	s10 =	sld [smem:$0x3FAF];
	_ =	sdelay $0x3  }
0x36: {  	p1 =	seq.s32 s10, $0x1;
	s10 =	sld [smem:$0x3FB0];
	_ =	sdelay $0x3  }
0x37: {  	[smem:$0x3FB0] =	sst s10  }
0x38: {  	s10 =	sld [smem:$0x3FB1]  }
0x39: {  	_ = 	snop;
	(pc) =	sbr.ind lr, $3  }
0x3a: {  	_ = 	snop  }
0x3b: {  	_ = 	snop  }
0x3c: {  	p2 =	seq.s32 s10, $0x1;
	s10 =	sld [smem:$0x3FB0]  }
0x3d: {  	_ =	shalt  }
0x3e: {  	_ =	shalt  }
0x3f: {  	_ =	shalt  }
0x40: {  	_ =	shalt  }
0x41: {  	_ =	shalt  }
0x42: {  	_ =	shalt  }
0x43: {  	_ =	shalt  }
0x44: {  	_ =	shalt  }
0x45: {  	_ =	shalt  }
0x46: {  	_ =	shalt  }
0x47: {  	_ =	shalt  }
0x48: {  	_ =	shalt  }
0x49: {  	_ =	shalt  }
0x4a: {  	_ =	shalt  }
0x4b: {  	_ =	shalt  }
0x4c: {  	_ =	shalt  }
0x4d: {  	_ =	shalt  }
0x4e: {  	_ =	shalt  }
0x4f: {  	_ =	shalt  }
0x50: {  	_ =	shalt  }
0x51: {  	_ =	shalt  }
0x52: {  	_ =	shalt  }
0x53: {  	_ =	shalt  }
0x54: {  	_ =	shalt  }
0x55: {  	_ =	shalt  }
0x56: {  	_ =	shalt  }
0x57: {  	_ =	shalt  }
0x58: {  	_ =	shalt  }
0x59: {  	_ =	shalt  }
0x5a: {  	_ =	shalt  }
0x5b: {  	_ =	shalt  }
0x5c: {  	_ =	shalt  }
0x5d: {  	_ =	shalt  }
0x5e: {  	_ =	shalt  }
0x5f: {  	_ =	shalt  }
0x60: {  	_ =	shalt  }
0x61: {  	_ =	shalt  }
0x62: {  	_ =	shalt  }
0x63: {  	_ =	shalt  }
0x64: {  	_ =	shalt  }
0x65: {  	_ =	shalt  }
0x66: {  	_ =	shalt  }
0x67: {  	_ =	shalt  }
0x68: {  	_ =	shalt  }
0x69: {  	_ =	shalt  }
0x6a: {  	_ =	shalt  }
0x6b: {  	_ =	shalt  }
0x6c: {  	_ =	shalt  }
0x6d: {  	_ =	shalt  }
0x6e: {  	_ =	shalt  }
0x6f: {  	_ =	shalt  }
0x70: {  	_ =	shalt  }
0x71: {  	_ =	shalt  }
0x72: {  	_ =	shalt  }
0x73: {  	_ =	shalt  }
0x74: {  	_ =	shalt  }
0x75: {  	_ =	shalt  }
0x76: {  	_ =	shalt  }
0x77: {  	_ =	shalt  }
0x78: {  	_ =	shalt  }
0x79: {  	_ =	shalt  }
0x7a: {  	_ =	shalt  }
0x7b: {  	_ =	shalt  }
0x7c: {  	_ =	shalt  }
0x7d: {  	_ =	shalt  }
0x7e: {  	_ =	shalt  }
0x7f: {  	_ =	shalt  }
0x80: {  	_ =	shalt  }
0x81: {  	_ =	shalt  }
0x82: {  	_ =	shalt  }
0x83: {  	_ =	shalt  }
0x84: {  	_ =	shalt  }
0x85: {  	_ =	shalt  }
0x86: {  	_ =	shalt  }
0x87: {  	_ =	shalt  }
.Lfunc_end0:
.L_simem_size_0:
called_computation.1_lowered:
.L_overlay_start_0:
0x88: {  	s2 =	sld [smem:$0x3FD9]  }
0x89: {  	s3 =	sld [smem:$0x3FFE];
	_ =	sdelay $0x1  }
0x8a: {  	s1 =	srdreg.scid  }
0x8b: {  	s0 =	sand.u32 $0x1, s1  }
0x8c: {  	s16 =	sshll.u32 s0, $0xA;
	s2 =	sadd.s32 s3, s2  }
0x8d: {  	s2 =	sadd.s32 s2, s16  }
0x8e: {  	[smem:$0x3FBC] =	sst s2  }
0x8f: {  	_ = 	snop  }
0x90: {  	(tm) =	ssettm $0x1  }
0x91: {  	s17 =	sld [smem:$0x3FFB];
	_ =	sdelay $0x3  }
0x92: {  	_ =	strace s17  }
0x93: {  	s2 =	sld [smem:$0x3FFC];
	_ =	sdelay $0x3  }
0x94: {  	_ =	strace s2  }
0x95: {  	s2 =	sld [smem:$0x3FFD];
	_ =	sdelay $0x3  }
0x96: {  	_ =	strace s2  }
0x97: {  	_ =	strace $0x8FFFFFFF  }
0x98: {  	s18 =	sld [smem:$0x3FDB];
	_ =	sdelay $0x1  }
0x99: {  	s19 =	simm.s32 $_scs_section_size  }
0x9a: {  	s4 =	simm.s32 $_size__tile_overlayer_lowered;
	s5 =	simm.s32 $_tile_overlayer_lowered  }
0x9b: {  	s22 =	simm.s32 $0x1BFF;
	s21 =	sshll.u32 s5, $0x1;
	s2 =	sadd.s32 s19, s18  }
0x9c: {  	s6 =	simm.s32 $0x0;
	s20 =	sshll.u32 s4, $0x1;
	s4 =	sadd.s32 s21, s2  }
0x9d: {  	[timem:s6], [sflag:s22] =	dma.local [hbm:s4], s20  }
0x9e: {  	_ =	swait.ge [sflag:s22], s20  }
0x9f: {  	s3 =	ssub.s32 $0x0, s20;
	[sflag:s22] =	ssyncset.done $0x0  }
0xa0: {  	[sflag:s22] =	ssyncadd.s32 s3;
	_ =	sdelay $0x1  }
0xa1: {  	s23 =	simm.s32 $0x1B8B  }
0xa2: {  	_ =	swait.ge [sflag:s23], $0x1  }
0xa3: {  	[sflag:s23] =	ssyncset.done $0x0  }
0xa4: {  	s25 =	simm.s32 $0x1B8E;
	s24 =	sld [smem:$0x3FFE];
	[sflag:s23] =	ssyncadd.s32 $0xFFFFFFFF  }
0xa5: {  	s26 =	simm.s32 $execute0_lowered;
	[smem:$0x3FD2] =	sst s25  }
0xa6: {  	s4 =	sshll.u32 s26, $0x1;
	_ =	strace $0x80000049;
	[dreg:$0x1] =	wrdreg $0xFFFFFFFF  }
0xa7: {  	s28 =	simm.s32 $_size_execute0_lowered;
	s2 =	sadd.s32 s2, s4;
	[dreg:$0x0] =	wrdreg $0x0  }
0xa8: {  	s4 =	sshll.u32 s28, $0x1;
	[dreg:$0x2] =	wrdreg s2  }
0xa9: {  	[dreg:$0x3] =	wrdreg s4  }
0xaa: {  	[dreg:$0x4] =	wrdreg $0xC0  }
0xab: {  	_ =	task [dreg:s6], $0x5FFFF  }
0xac: {  	[dreg:$0x1] =	wrdreg $0xFFFFFFFF  }
0xad: {  	[dreg:$0x0] =	wrdreg $0x60  }
0xae: {  	[dreg:$0x2] =	wrdreg s24  }
0xaf: {  	[dreg:$0x3] =	wrdreg $0xA8000  }
0xb0: {  	[dreg:$0x4] =	wrdreg $0x9  }
0xb1: {  	_ =	task.clear_ibuf [dreg:s6], $0x5FFFF;
	_ =	strace $0x90000049  }
0xb2: {  	s29 =	simm.s32 $0x9;
	_ =	strace $0x8000004B  }
0xb3: {  	_ =	swait.ge [sflag:s29], $0x1  }
0xb4: {  	[sflag:s29] =	ssyncadd.s32 $0xFFFFFFFF  }
0xb5: {  	_ =	strace $0x9000004B  }
0xb6: {  	_ =	sfence  }
0xb7: {  	s30 =	sld [smem:$0x0];
	_ =	sdelay $0x2  }
0xb8: {  	s31 =	sshll.u32 s1, $0xD;
	s1 =	sshrl.u32 s1, $0x2  }
0xb9: {  	s3 =	sand.u32 $0x4000, s31;
	s1 =	sadd.s32 s1, s30  }
0xba: {  	s0 =	sor.u32 s3, s0;
	s1 =	sshll.u32 s1, $0x11  }
0xbb: {  	s0 =	sor.u32 s1, s0  }
0xbc: {  	s0 =	sadd.s32 $0x8F2B, s0  }
0xbd: {  	[sflag:s0] =	ssyncadd.remote.s32 $0x1  }
0xbe: {  	_ =	sfence.sel $0xFFFF  }
0xbf: {  	[dreg:$0x0] =	wrdreg $0xFFFFFFFF;
	(pc) =	sbr.abs _section_cstart, $3  }
0xc0: {  	[dreg:$0x1] =	wrdreg $0xFFFFFFFF  }
0xc1: {  	_ =	task.clear_ibuf [dreg:s6], $0x2FFFF;
	_ =	strace $0x9FFFFFFF  }
0xc2: {  	(tm) =	ssettm $0x7FFFFFFF  }
0xc3: {  	_ =	shalt  }
tec
execute0_lowered:
.L_overlay_start_1:
0x0: {  	(tag) =	ssettag $0x1  }
0x1: {  	s5 =	rddreg [dreg:$0x0]  }
0x2: {  	s1 =	rddreg [dreg:$0x1]  }
0x3: {  	s0 =	rddreg [dreg:$0x2];
	s3 =	srdreg.scid  }
0x4: {  	s2 =	simm.s32 $0x0;
	s9 =	stileid.u32;
	s10 =	simm.s32 $0x1  }
0x5: {  	s11 =	simm.s32 $0x4000;
	s12 =	simm.s32 $0x50;
	s13 =	simm.s32 $0x8000  }
0x6: {  	s14 =	simm.s32 $0x0;
	s4 =	sand.u32 $0x1, s3;
	[smem:$0x7FF] =	sst s2  }
0x7: {  	s30 =	sshll.u32 s9, $0xC;
	s3 =	sadd.s32 $0x20E00, s5;
	p0 =	sne.s32 s9, $0x0  }
0x8: {  	s6 =	sshll.u32 s4, $0xB;
	_ =	strace $0x8000004A;
	s7 =	smul.u32 $0x27100, s4  }
0x9: {  	s8 =	ssub.s32 $0x2, s4;
	s4 =	sadd.s32 $0x6F200, s5;
	s6 =	sor.u32 s6, s30  }
0xa: {  	s9 =	sshrl.u32 @!p0 s1, $0x3;
	s31 =	sshrl.u32 s8, $0x1;
	s6 =	sadd.s32 s6, s5  }
0xb: {  	s7 =	sadd.s32 s7, s5;
	s8 =	ssub.s32 s8, s31;
	s5 =	sadd.s32 $0x10E00, s6  }
0xc: {  	s6 =	sadd.s32 $0x800, s6;
	s7 =	sadd.s32 $0x96400, s7;
	s8 =	smax.u32 s8, $0x1  }
.LBB2_1:
0xd: {  	s15 =	simm.s32 @!p0 $0x1C01  }
0xe: {  	[spmem:s9], [sflag:s15] =	dma.local @!p0 [hbm:s4], $0x27100  }
0xf: {  	s15 =	simm.s32 @!p0 $0x1  }
0x10: {  	_ =	swait.ge @!p0 [sflag:s15], $0x27100  }
0x11: {  	[sflag:s15] =	ssyncset.done @!p0 $0x0  }
0x12: {  	[sflag:s15] =	ssyncadd.s32 @!p0 $0xFFFD8F00  }
0x13: {  	[tilespmem:s2], [sflag:$0x1] =	stream.linear.gather [hbm4b:s5+s2], $0x3E80, $0x38;
	[tilespmem:$0x1E080] =	vst v63  }
0x14: {  	_ =	swait.ge [sflag:s10], $0x3E80  }
0x15: {  	[sflag:s10] =	ssyncset.done $0x0  }
0x16: {  	[sflag:s10] =	ssyncadd.s32 $0xFFFFC180  }
0x17: {  	[tilespmem:s11], [sflag:$0x1] =	stream.linear.gather [hbm4b:s6+s2], $0x3E80, $0x38;
	[tilespmem:$0x1E080] =	vst v63  }
0x18: {  	_ =	swait.ge [sflag:s10], $0x3E80  }
0x19: {  	[sflag:s10] =	ssyncset.done $0x0  }
0x1a: {  	[sflag:s10] =	ssyncadd.s32 $0xFFFFC180  }
0x1b: {  	s30 =	simm.s32 $0x0;
	[bflag:$0x0] =	sbarrier.arrive $0xFFFF  }
0x1c: {  	[tilespmem:s13], [sflag:$0x1] =	stream.indirect.gather [hbm4b:s3+s12], $0x80, s30, s12, $0xb8;
	[tilespmem:$0x1E080] =	vst v63  }
0x1d: {  	_ =	swait.ge [sflag:s10], $0x2800  }
0x1e: {  	[sflag:s10] =	ssyncset.done $0x0  }
0x1f: {  	s31 =	simm.s32 $0x4000;
	[sflag:s10] =	ssyncadd.s32 $0xFFFFD800  }
0x20: {  	[spmem:s1] =	stream.indirect.scatter.add.f32 [tilespmem:s13], [sflag:$0x1], $0x80, s31, s12, $0xb8;
	[tilespmem:$0x1E080] =	vst v63  }
0x21: {  	_ =	swait.ge [sflag:s10], $0x2800  }
0x22: {  	s16 =	simm.s32 $0x400;
	s15 =	simm.s32 $0x200;
	[sflag:s10] =	ssyncset.done $0x0  }
.LBB2_2:
0x23: {  	s17 =	sshra.s32 s15, $0x2  }
0x24: {  	[sflag:s10] =	ssyncadd.s32 $0xFFFFD800;
	s15 =	smov.u32 s16;
	s18 =	sadd.s32 $0x200, s16  }
0x25: {  	[tilespmem:s13], [sflag:$0x1] =	stream.indirect.gather [hbm4b:s3+s12], $0x80, s17, s12, $0xb8;
	[tilespmem:$0x1E080] =	vst v63  }
0x26: {  	p1 =	sne.s32 s16, $0xF800;
	_ =	swait.ge [sflag:s10], $0x2800  }
.Ltmp0:
0x27: {  	[sflag:s10] =	ssyncset.done $0x0;
	(pc) =	sbr.rel @p1 .LBB2_2-.Ltmp0, $4  }
0x28: {  	s16 =	sadd.s32 $0x4000, s17;
	[sflag:s10] =	ssyncadd.s32 $0xFFFFD800  }
0x29: {  	[spmem:s1] =	stream.indirect.scatter.add.f32 [tilespmem:s13], [sflag:$0x1], $0x80, s16, s12, $0xb8;
	[tilespmem:$0x1E080] =	vst v63  }
0x2a: {  	_ =	swait.ge [sflag:s10], $0x2800  }
0x2b: {  	s16 =	smov.u32 s18;
	[sflag:s10] =	ssyncset.done $0x0  }
0x2c: {  	s15 =	sshra.s32 s15, $0x2;
	[sflag:s10] =	ssyncadd.s32 $0xFFFFD800  }
0x2d: {  	[tilespmem:s13], [sflag:$0x1] =	stream.indirect.gather [hbm4b:s3+s12], $0x80, s15, s12, $0xb8;
	[tilespmem:$0x1E080] =	vst v63  }
0x2e: {  	_ =	swait.ge [sflag:s10], $0x2800  }
0x2f: {  	[sflag:s10] =	ssyncset.done $0x0  }
0x30: {  	s15 =	sadd.s32 $0x4000, s15;
	[sflag:s10] =	ssyncadd.s32 $0xFFFFD800  }
0x31: {  	[spmem:s1] =	stream.indirect.scatter.add.f32 [tilespmem:s13], [sflag:$0x1], $0x80, s15, s12, $0xb8;
	[tilespmem:$0x1E080] =	vst v63  }
0x32: {  	_ =	swait.ge [sflag:s10], $0x2800  }
0x33: {  	[sflag:s10] =	ssyncset.done $0x0  }
0x34: {  	s14 =	sadd.s32 $0x1, s14;
	[sflag:s10] =	ssyncadd.s32 $0xFFFFD800  }
0x35: {  	p1 =	sne.s32 s14, s8;
	s15 =	simm.s32 @!p0 $0x1C01;
	[bflag:$0x0] =	sbarrier.arrive $0xFFFF  }
0x36: {  	[hbm:s7], [sflag:s15] =	dma.local @!p0 [spmem:s9], $0x27100  }
.Ltmp1:
0x37: {  	_ = 	snop;
	(pc) =	sbr.rel @p1 .LBB2_1-.Ltmp1, $4  }
0x38: {  	s15 =	simm.s32 @!p0 $0x1  }
0x39: {  	_ =	swait.ge @!p0 [sflag:s15], $0x27100  }
0x3a: {  	[sflag:s15] =	ssyncset.done @!p0 $0x0  }
0x3b: {  	[sflag:s15] =	ssyncadd.s32 @!p0 $0xFFFD8F00  }
0x3c: {  	_ =	sfence.sel $0x180000  }
0x3d: {  	[bflag:$0x0] =	sbarrier.arrive $0xFFFF  }
0x3e: {  	_ =	strace $0x9000004A  }
0x3f: {  	s0 =	sadd.s32 @!p0 $0x100000, s0;
	[bflag:$0x2] =	sbarrier.arrive $0xFFFF  }
0x40: {  	[sflag:s0] =	ssyncadd.tile.s32 @!p0 $0x1;
	_ =	shalt  }
.Lfunc_end2:
_tile_overlayer_lowered:
.L_overlay_start_2:
0x41: {  	(tag) =	ssettag $0x2  }
0x42: {  	s0 =	rddreg [dreg:$0x0];
	s2 =	stileid.u32  }
0x43: {  	s1 =	rddreg [dreg:$0x1];
	p0 =	sne.s32 s2, $0x0  }
0x44: {  	s3 =	rddreg [dreg:$0x2];
	[bflag:$0x3] =	sbarrier.arrive $0xFFFF;
	s2 =	simm.s32 @!p0 $0x1C01  }
0x45: {  	[timem:s3], [sflag:s2] =	dma.local @!p0 [hbm:s0], s1  }
0x46: {  	s0 =	simm.s32 @!p0 $0x1  }
0x47: {  	_ =	swait.ge @!p0 [sflag:s0], s1  }
0x48: {  	s1 =	ssub.s32 @!p0 $0x0, s1;
	[sflag:s0] =	ssyncset.done @!p0 $0x0  }
0x49: {  	[sflag:s0] =	ssyncadd.s32 @!p0 s1  }
0x4a: {  	[bflag:$0x3] =	sbarrier.arrive $0xFFFF  }
0x4b: {  	_ =	shalt  }

// kernel: kernel.8.cloned.1.call-start
scs
__scs_entry_jumppad:
0x0: {  	(pc) =	sbr.rel $0x88, $3  }
0x1: {  	(tag) =	ssettag $0x0;
	lr =	simm.s32 $0x1  }
0x2: {  	[smem:$0x3F95] =	sst lr;
	_ =	strace $0xD0000000  }
0x3: {  	_ = 	snop  }
0x4: {  	_ = 	snop  }
0x5: {  	_ = 	snop  }
0x6: {  	_ = 	snop  }
0x7: {  	_ = 	snop  }
__scs_overlays_trampoline_lowered:
0x8: {  	[smem:$0x3FA4] =	sst s0  }
0x9: {  	[smem:$0x3FA5] =	sst s1  }
0xa: {  	[smem:$0x3FA6] =	sst s2  }
0xb: {  	[smem:$0x3FA7] =	sst s3  }
0xc: {  	[smem:$0x3FA8] =	sst s4  }
0xd: {  	[smem:$0x3FA9] =	sst s5  }
0xe: {  	[smem:$0x3FAA] =	sst s6  }
0xf: {  	[smem:$0x3FAB] =	sst s7  }
0x10: {  	[smem:$0x3FAC] =	sst s8  }
0x11: {  	[smem:$0x3FAD] =	sst s9;
	s0 =	simm.s32 @!p0 $0x0  }
0x12: {  	s1 =	sld [smem:$0x3F93];
	s0 =	simm.s32 @p0 $0x1  }
0x13: {  	[smem:$0x3FAE] =	sst s0;
	s0 =	simm.s32 @!p1 $0x0  }
0x14: {  	s2 =	sld [smem:$0x3F92];
	s0 =	simm.s32 @p1 $0x1  }
0x15: {  	[smem:$0x3FAF] =	sst s0;
	s0 =	simm.s32 @!p2 $0x0  }
0x16: {  	s3 =	sld [smem:$0x3FDB];
	s0 =	simm.s32 @p2 $0x1  }
0x17: {  	s4 =	simm.s32 $0x1BF5;
	[smem:$0x3FB1] =	sst s0  }
0x18: {  	s0 =	sld [smem:$0x3F94];
	_ =	swait.ge [sflag:s4], $0x0  }
0x19: {  	s7 =	sld [smem:$0x3F95]  }
0x1a: {  	s8 =	sadd.s32 $0xFFFFE003, lr  }
0x1b: {  	s9 =	sadd.s32 $0xFFFFFEF7, lr;
	s5 =	simm.s32 $0xFFFFFFFF;
	p2 =	slt.u32 s8, $0xFFFFF086  }
0x1c: {  	p1 =	slt.u32 s9, $0xF7A;
	s5 =	simm.s32 @!p2 $0x0  }
0x1d: {  	s5 =	simm.s32 @p1 $0x1;
	p0 =	seq.s32 s7, s2  }
0x1e: {  	s7 =	smul.u32 @!p0 $0xF7A, s2;
	p2 =	seq.s32 @!p0 s5, $0x0  }
0x1f: {  	s9 =	smul.u32 $0xF7A, s1;
	s8 =	simm.s32 @!p0 $0x1BF5;
	p2 =	por !p2, p0  }
0x20: {  	[sflag:s8] =	ssyncset.s32 @!p0 $0xFFFFF086;
	s6 =	sadd.s32 @!p0 s3, s7;
	s7 =	simm.s32 @!p0 $0x108  }
0x21: {  	s3 =	sadd.s32 s3, s9;
	s6 =	sadd.s32 @!p0 $0x88, s6;
	s7 =	simm.s32 @p2 $0x1082  }
0x22: {  	[simem:s7], [sflag:s8] =	dma.local @!p0 [hbm:s6], $0xF7A  }
0x23: {  	s9 =	sor.u32 $0xD0000000, s2;
	s6 =	simm.s32 $0x108;
	_ =	swait.ge @!p0 [sflag:s8], $0x0  }
0x24: {  	s3 =	sadd.s32 $0x88, s3;
	s6 =	simm.s32 @!p1 $0x1082;
	[sflag:s4] =	ssyncset.s32 $0xFFFFF086  }
0x25: {  	[simem:s6], [sflag:s4] =	dma.local [hbm:s3], $0xF7A  }
0x26: {  	[smem:$0x3F95] =	sst s1;
	(tag) =	ssettag s2;
	_ =	strace s9  }
0x27: {  	s1 =	sld [smem:$0x3FA5]  }
0x28: {  	s2 =	sld [smem:$0x3FA6]  }
0x29: {  	s4 =	sld [smem:$0x3FA8]  }
0x2a: {  	p0 =	seq.s32 s5, $0x0;
	s5 =	sld [smem:$0x3FA9]  }
0x2b: {  	s6 =	sld [smem:$0x3FAA]  }
0x2c: {  	s7 =	sld [smem:$0x3FAB]  }
0x2d: {  	s3 =	simm.s32 $0x108;
	s8 =	sld [smem:$0x3FAC]  }
0x2e: {  	s3 =	simm.s32 @!p0 $0x1082;
	s9 =	sld [smem:$0x3FAD]  }
0x2f: {  	lr =	sadd.s32 s0, s3;
	s0 =	sld [smem:$0x3FA4]  }
0x30: {  	s3 =	sld [smem:$0x3FA7]  }
0x31: {  	[smem:$0x3FB0] =	sst s10  }
0x32: {  	s10 =	sld [smem:$0x3FAE];
	_ =	sdelay $0x3  }
0x33: {  	p0 =	seq.s32 s10, $0x1;
	s10 =	sld [smem:$0x3FB0];
	_ =	sdelay $0x3  }
0x34: {  	[smem:$0x3FB0] =	sst s10  }
0x35: {  	s10 =	sld [smem:$0x3FAF];
	_ =	sdelay $0x3  }
0x36: {  	p1 =	seq.s32 s10, $0x1;
	s10 =	sld [smem:$0x3FB0];
	_ =	sdelay $0x3  }
0x37: {  	[smem:$0x3FB0] =	sst s10  }
0x38: {  	s10 =	sld [smem:$0x3FB1]  }
0x39: {  	_ = 	snop;
	(pc) =	sbr.ind lr, $3  }
0x3a: {  	_ = 	snop  }
0x3b: {  	_ = 	snop  }
0x3c: {  	p2 =	seq.s32 s10, $0x1;
	s10 =	sld [smem:$0x3FB0]  }
0x3d: {  	_ =	shalt  }
0x3e: {  	_ =	shalt  }
0x3f: {  	_ =	shalt  }
0x40: {  	_ =	shalt  }
0x41: {  	_ =	shalt  }
0x42: {  	_ =	shalt  }
0x43: {  	_ =	shalt  }
0x44: {  	_ =	shalt  }
0x45: {  	_ =	shalt  }
0x46: {  	_ =	shalt  }
0x47: {  	_ =	shalt  }
0x48: {  	_ =	shalt  }
0x49: {  	_ =	shalt  }
0x4a: {  	_ =	shalt  }
0x4b: {  	_ =	shalt  }
0x4c: {  	_ =	shalt  }
0x4d: {  	_ =	shalt  }
0x4e: {  	_ =	shalt  }
0x4f: {  	_ =	shalt  }
0x50: {  	_ =	shalt  }
0x51: {  	_ =	shalt  }
0x52: {  	_ =	shalt  }
0x53: {  	_ =	shalt  }
0x54: {  	_ =	shalt  }
0x55: {  	_ =	shalt  }
0x56: {  	_ =	shalt  }
0x57: {  	_ =	shalt  }
0x58: {  	_ =	shalt  }
0x59: {  	_ =	shalt  }
0x5a: {  	_ =	shalt  }
0x5b: {  	_ =	shalt  }
0x5c: {  	_ =	shalt  }
0x5d: {  	_ =	shalt  }
0x5e: {  	_ =	shalt  }
0x5f: {  	_ =	shalt  }
0x60: {  	_ =	shalt  }
0x61: {  	_ =	shalt  }
0x62: {  	_ =	shalt  }
0x63: {  	_ =	shalt  }
0x64: {  	_ =	shalt  }
0x65: {  	_ =	shalt  }
0x66: {  	_ =	shalt  }
0x67: {  	_ =	shalt  }
0x68: {  	_ =	shalt  }
0x69: {  	_ =	shalt  }
0x6a: {  	_ =	shalt  }
0x6b: {  	_ =	shalt  }
0x6c: {  	_ =	shalt  }
0x6d: {  	_ =	shalt  }
0x6e: {  	_ =	shalt  }
0x6f: {  	_ =	shalt  }
0x70: {  	_ =	shalt  }
0x71: {  	_ =	shalt  }
0x72: {  	_ =	shalt  }
0x73: {  	_ =	shalt  }
0x74: {  	_ =	shalt  }
0x75: {  	_ =	shalt  }
0x76: {  	_ =	shalt  }
0x77: {  	_ =	shalt  }
0x78: {  	_ =	shalt  }
0x79: {  	_ =	shalt  }
0x7a: {  	_ =	shalt  }
0x7b: {  	_ =	shalt  }
0x7c: {  	_ =	shalt  }
0x7d: {  	_ =	shalt  }
0x7e: {  	_ =	shalt  }
0x7f: {  	_ =	shalt  }
0x80: {  	_ =	shalt  }
0x81: {  	_ =	shalt  }
0x82: {  	_ =	shalt  }
0x83: {  	_ =	shalt  }
0x84: {  	_ =	shalt  }
0x85: {  	_ =	shalt  }
0x86: {  	_ =	shalt  }
0x87: {  	_ =	shalt  }
.Lfunc_end0:
.L_simem_size_0:
called_computation_lowered:
.L_overlay_start_0:
0x88: {  	s2 =	sld [smem:$0x3FD9]  }
0x89: {  	s3 =	sld [smem:$0x3FFE];
	_ =	sdelay $0x1  }
0x8a: {  	s1 =	srdreg.scid  }
0x8b: {  	s0 =	sand.u32 $0x1, s1  }
0x8c: {  	s17 =	sshll.u32 s0, $0xA;
	s2 =	sadd.s32 s3, s2  }
0x8d: {  	s2 =	sadd.s32 s2, s17  }
0x8e: {  	[smem:$0x3FBC] =	sst s2  }
0x8f: {  	_ = 	snop  }
0x90: {  	s2 =	sld [smem:$0x3FD0];
	(tm) =	ssettm $0x1  }
0x91: {  	s18 =	sld [smem:$0x3FFB];
	_ =	sdelay $0x3  }
0x92: {  	_ =	strace s18  }
0x93: {  	s3 =	sld [smem:$0x3FFC];
	_ =	sdelay $0x3  }
0x94: {  	_ =	strace s3  }
0x95: {  	s3 =	sld [smem:$0x3FFD];
	_ =	sdelay $0x3  }
0x96: {  	_ =	strace s3  }
0x97: {  	_ =	strace $0x8FFFFFFF  }
0x98: {  	s19 =	sld [smem:$0x3FDB];
	_ =	sdelay $0x1  }
0x99: {  	s4 =	simm.s32 $_scs_section_size  }
0x9a: {  	s5 =	simm.s32 $_size__tile_overlayer_lowered;
	s6 =	simm.s32 $_tile_overlayer_lowered  }
0x9b: {  	s22 =	simm.s32 $0x1BFF;
	s21 =	sshll.u32 s6, $0x1;
	s3 =	sadd.s32 s4, s19  }
0x9c: {  	s7 =	simm.s32 $0x0;
	s20 =	sshll.u32 s5, $0x1;
	s5 =	sadd.s32 s21, s3  }
0x9d: {  	[timem:s7], [sflag:s22] =	dma.local [hbm:s5], s20  }
0x9e: {  	_ =	swait.ge [sflag:s22], s20  }
0x9f: {  	s4 =	ssub.s32 $0x0, s20;
	[sflag:s22] =	ssyncset.done $0x0  }
0xa0: {  	[sflag:s22] =	ssyncadd.s32 s4;
	_ =	sdelay $0x1  }
0xa1: {  	s23 =	simm.s32 $0x1B8B  }
0xa2: {  	_ =	swait.ge [sflag:s23], $0x1  }
0xa3: {  	[sflag:s23] =	ssyncset.done $0x0  }
0xa4: {  	s25 =	simm.s32 $0x1B8E;
	s24 =	sld [smem:$0x3FFE];
	[sflag:s23] =	ssyncadd.s32 $0xFFFFFFFF  }
0xa5: {  	s26 =	simm.s32 $execute0_lowered;
	[smem:$0x3FD2] =	sst s25  }
0xa6: {  	s5 =	sshll.u32 s26, $0x1;
	_ =	strace $0x80000046;
	[dreg:$0x1] =	wrdreg $0xFFFFFFFF  }
0xa7: {  	s28 =	simm.s32 $_size_execute0_lowered;
	s3 =	sadd.s32 s3, s5;
	[dreg:$0x0] =	wrdreg $0x0  }
0xa8: {  	s5 =	sshll.u32 s28, $0x1;
	[dreg:$0x2] =	wrdreg s3  }
0xa9: {  	[dreg:$0x3] =	wrdreg s5  }
0xaa: {  	[dreg:$0x4] =	wrdreg $0xC0  }
0xab: {  	_ =	task [dreg:s7], $0x5FFFF  }
0xac: {  	[dreg:$0x1] =	wrdreg $0xFFFFFFFF  }
0xad: {  	[dreg:$0x0] =	wrdreg $0x60  }
0xae: {  	[dreg:$0x2] =	wrdreg s24  }
0xaf: {  	[dreg:$0x3] =	wrdreg s2  }
0xb0: {  	[dreg:$0x4] =	wrdreg $0x40800  }
0xb1: {  	[dreg:$0x5] =	wrdreg $0x9  }
0xb2: {  	_ =	task.clear_ibuf [dreg:s7], $0x6FFFF;
	_ =	strace $0x90000046  }
0xb3: {  	s29 =	simm.s32 $0x9;
	_ =	strace $0x80000048  }
0xb4: {  	_ =	swait.ge [sflag:s29], $0x1  }
0xb5: {  	[sflag:s29] =	ssyncadd.s32 $0xFFFFFFFF  }
0xb6: {  	_ =	strace $0x90000048  }
0xb7: {  	_ =	sfence  }
0xb8: {  	s30 =	sld [smem:$0x0];
	_ =	sdelay $0x2  }
0xb9: {  	s31 =	sshll.u32 s1, $0xD;
	s1 =	sshrl.u32 s1, $0x2  }
0xba: {  	s3 =	sand.u32 $0x4000, s31;
	s1 =	sadd.s32 s1, s30  }
0xbb: {  	s0 =	sor.u32 s3, s0;
	s1 =	sshll.u32 s1, $0x11  }
0xbc: {  	s0 =	sor.u32 s1, s0  }
0xbd: {  	s0 =	sadd.s32 $0x8F2B, s0  }
0xbe: {  	[sflag:s0] =	ssyncadd.remote.s32 $0x1  }
0xbf: {  	_ =	sfence.sel $0xFFFF  }
0xc0: {  	[dreg:$0x0] =	wrdreg $0xFFFFFFFF;
	(pc) =	sbr.abs _section_cstart, $3  }
0xc1: {  	[dreg:$0x1] =	wrdreg $0xFFFFFFFF  }
0xc2: {  	_ =	task.clear_ibuf [dreg:s7], $0x2FFFF;
	_ =	strace $0x9FFFFFFF  }
0xc3: {  	(tm) =	ssettm $0x7FFFFFFF  }
tec
execute0_lowered:
.L_overlay_start_1:
0x0: {  	(tag) =	ssettag $0x1  }
0x1: {  	s3 =	rddreg [dreg:$0x0]  }
0x2: {  	s5 =	rddreg [dreg:$0x1]  }
0x3: {  	s1 =	rddreg [dreg:$0x2]  }
0x4: {  	s0 =	rddreg [dreg:$0x3]  }
0x5: {  	s2 =	simm.s32 $0x0;
	s4 =	srdreg.scid;
	s7 =	stileid.u32  }
0x6: {  	s11 =	simm.s32 $0x0;
	[smem:$0x7FF] =	sst s2;
	s4 =	sand.u32 $0x1, s4  }
0x7: {  	s10 =	sshll.u32 s7, $0xC;
	p0 =	sne.s32 s7, $0x0;
	_ =	strace $0x80000047  }
0x8: {  	s6 =	sshll.u32 s4, $0xB;
	s8 =	ssub.s32 $0x2, s4;
	s31 =	sshll.u32 s4, $0x4  }
0x9: {  	s7 =	sshrl.u32 @!p0 s1, $0x3;
	s6 =	sadd.s32 s6, s3;
	s9 =	sshrl.u32 s8, $0x1  }
0xa: {  	s3 =	sadd.s32 $0x10800, s3;
	s5 =	sadd.s32 s5, s31;
	s8 =	ssub.s32 s8, s9  }
0xb: {  	s6 =	sadd.s32 s10, s6;
	s9 =	simm.s32 $0x50;
	s10 =	simm.s32 $0x4000  }
0xc: {  	v0 =	vimm.f32 $1.000000000e+00;
	s4 =	sadd.s32 $0x800, s6;
	s6 =	smax.u32 s8, $0x1;
	s8 =	simm.s32 $0x1  }
.LBB2_1:
0xd: {  	s12 =	simm.s32 @!p0 $0x1C01  }
0xe: {  	[spmem:s7], [sflag:s12] =	dma.local @!p0 [hbm:s3], $0x4F0  }
0xf: {  	s12 =	simm.s32 @!p0 $0x1  }
0x10: {  	_ =	swait.ge @!p0 [sflag:s12], $0x4F0  }
0x11: {  	[sflag:s12] =	ssyncset.done @!p0 $0x0  }
0x12: {  	[sflag:s12] =	ssyncadd.s32 @!p0 $0xFFFFFB10  }
0x13: {  	[tilespmem:s2], [sflag:$0x1] =	stream.linear.gather [hbm4b:s4+s2], $0x3E80, $0x38;
	[tilespmem:$0x42F8] =	vst v63  }
0x14: {  	_ =	swait.ge [sflag:s8], $0x3E80  }
0x15: {  	[sflag:s8] =	ssyncset.done $0x0  }
0x16: {  	[sflag:s8] =	ssyncadd.s32 $0xFFFFC180  }
0x17: {  	[tilespmem:$0x4000] =	vst v0  }
0x18: {  	[tilespmem:$0x4010] =	vst v0  }
0x19: {  	[tilespmem:$0x4020] =	vst v0  }
0x1a: {  	[tilespmem:$0x4030] =	vst v0  }
0x1b: {  	[tilespmem:$0x4040] =	vst v0  }
0x1c: {  	s31 =	simm.s32 $0x0;
	[bflag:$0x0] =	sbarrier.arrive $0xFFFF  }
0x1d: {  	[spmem:s1] =	stream.indirect.scatter.add.f32 [tilespmem:s10], [sflag:$0x1], $0x1, s31, s9, $0xb8;
	[tilespmem:$0x42F8] =	vst v63  }
0x1e: {  	_ =	swait.ge [sflag:s8], $0x50  }
0x1f: {  	s12 =	simm.s32 $0x200;
	[sflag:s8] =	ssyncset.done $0x0  }
.LBB2_2:
0x20: {  	s13 =	sshra.s32 s12, $0x2;
	[sflag:s8] =	ssyncadd.s32 $0xFFFFFFB0;
	p1 =	sne.s32 s12, $0xF800  }
0x21: {  	[spmem:s1] =	stream.indirect.scatter.add.f32 [tilespmem:s10], [sflag:$0x1], $0x1, s13, s9, $0xb8;
	[tilespmem:$0x42F8] =	vst v63  }
.Ltmp0:
0x22: {  	_ = 	snop;
	(pc) =	sbr.rel @p1 .LBB2_2-.Ltmp0, $4  }
0x23: {  	_ = 	snop  }
0x24: {  	s12 =	sadd.s32 $0x200, s12  }
0x25: {  	_ =	swait.ge [sflag:s8], $0x50  }
0x26: {  	[sflag:s8] =	ssyncset.done $0x0  }
0x27: {  	[sflag:s8] =	ssyncadd.s32 $0xFFFFFFB0;
	s12 =	simm.s32 @!p0 $0x1;
	s11 =	sadd.s32 $0x1, s11  }
0x28: {  	s13 =	simm.s32 @!p0 $0x20;
	s14 =	simm.s32 @!p0 $0x10;
	p1 =	sne.s32 s11, s6  }
.Ltmp1:
0x29: {  	s15 =	simm.s32 @!p0 $0x1C01;
	[bflag:$0x0] =	sbarrier.arrive $0xFFFF;
	(pc) =	sbr.rel @p1 .LBB2_1-.Ltmp1, $4  }
0x2a: {  	[hbm:s5@s13], [sflag:s15] =	dma.strided @!p0 [spmem:s7@s14], $0x4F0, s12, $0x10   }
0x2b: {  	_ =	swait.ge @!p0 [sflag:s12], $0x4F0  }
0x2c: {  	[sflag:s12] =	ssyncset.done @!p0 $0x0  }
0x2d: {  	[sflag:s12] =	ssyncadd.s32 @!p0 $0xFFFFFB10  }
0x2e: {  	_ =	sfence.sel $0x180000  }
0x2f: {  	[bflag:$0x0] =	sbarrier.arrive $0xFFFF  }
0x30: {  	_ =	strace $0x90000047  }
0x31: {  	s0 =	sadd.s32 @!p0 $0x100000, s0;
	[bflag:$0x2] =	sbarrier.arrive $0xFFFF  }
0x32: {  	[sflag:s0] =	ssyncadd.tile.s32 @!p0 $0x1;
	_ =	shalt  }
.Lfunc_end2:
_tile_overlayer_lowered:
.L_overlay_start_2:
0x33: {  	(tag) =	ssettag $0x2  }
0x34: {  	s0 =	rddreg [dreg:$0x0];
	s2 =	stileid.u32  }
0x35: {  	s1 =	rddreg [dreg:$0x1];
	p0 =	sne.s32 s2, $0x0  }
0x36: {  	s3 =	rddreg [dreg:$0x2];
	[bflag:$0x3] =	sbarrier.arrive $0xFFFF;
	s2 =	simm.s32 @!p0 $0x1C01  }
0x37: {  	[timem:s3], [sflag:s2] =	dma.local @!p0 [hbm:s0], s1  }
0x38: {  	s0 =	simm.s32 @!p0 $0x1  }
0x39: {  	_ =	swait.ge @!p0 [sflag:s0], s1  }
0x3a: {  	s1 =	ssub.s32 @!p0 $0x0, s1;
	[sflag:s0] =	ssyncset.done @!p0 $0x0  }
0x3b: {  	[sflag:s0] =	ssyncadd.s32 @!p0 s1  }
0x3c: {  	[bflag:$0x3] =	sbarrier.arrive $0xFFFF  }
0x3d: {  	_ =	shalt  }

</sc_bundles>
